<compile_context>
chip_gen: v7x
topology: tpu7x:2x2x1
jax: 0.10.2.dev20260603
libtpu: 0.0.44.dev20260713+nightly
codegen_flags: <defaults>
</compile_context>

<pallas_src>
import functools

import jax
import jax.numpy as jnp
from jax import lax
from jax.experimental import pallas as pl
from jax.experimental.pallas import tpu as pltpu
from jax.experimental.pallas import tpu_sc as plsc

C = 4
N = 10000
E = 1000
HD = 128
E_CAP = 500
EPAD = 512
NBLK = 2000
NNB = N // NBLK
MBLK = 2000
NMB = N // MBLK
BIG = 1.0e9

SC_NC = 2
SC_NS = 16
SC_NW = SC_NC * SC_NS
GATHER_B = 2 * C * EPAD
GATHER_PER_W = GATHER_B // SC_NW


def _scan_body(hc_ref, out_ref, idx_ref):
    nb = pl.program_id(1)
    h = hc_ref[0]
    nz = h != 0.0
    rowf = (lax.broadcasted_iota(jnp.int32, (NBLK, EPAD), 0)
            + nb * NBLK).astype(jnp.float32)
    m0 = jnp.min(jnp.where(nz, rowf, BIG), axis=0, keepdims=True)
    v0 = jnp.sum(jnp.where(rowf == m0, h, 0.0), axis=0, keepdims=True)
    m1 = jnp.min(jnp.where(nz & (rowf > m0), rowf, BIG), axis=0,
                 keepdims=True)
    v1 = jnp.sum(jnp.where(rowf == m1, h, 0.0), axis=0, keepdims=True)
    cnt = jnp.sum(nz.astype(jnp.float32), axis=0, keepdims=True)
    zpad = jnp.zeros((3, EPAD), dtype=jnp.float32)

    @pl.when(nb == 0)
    def _():
        out_ref[0] = jnp.concatenate([cnt, v0, v1, m0, m1, zpad], axis=0)

    @pl.when(nb != 0)
    def _():
        prev = out_ref[0]
        pcnt = prev[0:1]
        pv0 = prev[1:2]
        pv1 = prev[2:3]
        pn0 = prev[3:4]
        pn1 = prev[4:5]
        p0 = pcnt == 0.0
        p1 = pcnt == 1.0
        nn0 = jnp.where(p0, m0, pn0)
        nv0 = jnp.where(p0, v0, pv0)
        nn1 = jnp.where(p0, m1, jnp.where(p1, m0, pn1))
        nv1 = jnp.where(p0, v1, jnp.where(p1, v0, pv1))
        ncnt = pcnt + cnt
        out_ref[0] = jnp.concatenate([ncnt, nv0, nv1, nn0, nn1, zpad],
                                     axis=0)

    @pl.when(nb == NNB - 1)
    def _():
        fin = out_ref[0]
        n0 = fin[3:4]
        n1 = fin[4:5]
        n0 = jnp.where(n0 < float(N), n0, 0.0).astype(jnp.int32)
        n1 = jnp.where(n1 < float(N), n1, 0.0).astype(jnp.int32)
        zi = jnp.zeros((6, EPAD), dtype=jnp.int32)
        idx_ref[0] = jnp.concatenate([n0, n1, zi], axis=0)


def _scan_call(incidence):
    return pl.pallas_call(
        _scan_body,
        grid=(C, NNB),
        in_specs=[pl.BlockSpec((1, NBLK, EPAD), lambda c, nb: (c, nb, 0))],
        out_specs=[pl.BlockSpec((1, 8, EPAD), lambda c, nb: (c, 0, 0)),
                   pl.BlockSpec((1, 8, EPAD), lambda c, nb: (c, 0, 0))],
        out_shape=[jax.ShapeDtypeStruct((C, 8, EPAD), jnp.float32),
                   jax.ShapeDtypeStruct((C, 8, EPAD), jnp.int32)],
        compiler_params=pltpu.CompilerParams(
            dimension_semantics=("arbitrary", "arbitrary")),
    )(incidence)


def _dot3(a, b):
    f32 = jnp.float32
    ah = a.astype(jnp.bfloat16)
    al = (a - ah.astype(f32)).astype(jnp.bfloat16)
    bh = b.astype(jnp.bfloat16)
    bl = (b - bh.astype(f32)).astype(jnp.bfloat16)
    return (jnp.dot(ah, bh, preferred_element_type=f32)
            + (jnp.dot(ah, bl, preferred_element_type=f32)
               + jnp.dot(al, bh, preferred_element_type=f32)))


def _dot1(a, b):
    return jnp.dot(a.astype(jnp.bfloat16), b.astype(jnp.bfloat16),
                   preferred_element_type=jnp.float32)


def _mlp_body(nf_ref, w1_ref, b1_ref, w2_ref, b2_ref, a1_ref, ab1_ref,
              a2_ref, ab2_ref, wc_ref, dep_ref, feat_ref, att_ref,
              struct_ref):
    c = pl.program_id(0)
    nb = pl.program_id(1)
    x = nf_ref[...]
    h1 = jnp.maximum(_dot3(x, w1_ref[c]) + b1_ref[c][None, :], 0.0)
    xk = _dot3(h1, w2_ref[c]) + b2_ref[c][None, :]
    featp = jnp.sum(xk * xk)
    h2 = jnp.maximum(_dot1(xk, a1_ref[c]) + ab1_ref[c][None, :], 0.0)
    logit = _dot1(h2, a2_ref[c]) + ab2_ref[c][None, :]
    attp = jnp.sum(jax.nn.sigmoid(logit))

    @pl.when(nb == 0)
    def _():
        wc = wc_ref[c]
        feat_ref[c, 0] = featp + dep_ref[0, 0]
        att_ref[c, 0] = attp
        struct_ref[c, 0] = jnp.sum(wc * wc)

    @pl.when(nb != 0)
    def _():
        feat_ref[c, 0] += featp
        att_ref[c, 0] += attp


def _mlp_call(nf, W1, b1, W2, b2, A1, ab1, A2, ab2, Wc, dep):
    full = lambda *s: pl.BlockSpec(s, lambda c, nb: tuple(0 for _ in s))
    smem_out = pl.BlockSpec((C, 1), lambda c, nb: (0, 0),
                            memory_space=pltpu.SMEM)
    return pl.pallas_call(
        _mlp_body,
        grid=(C, NMB),
        in_specs=[
            pl.BlockSpec((MBLK, HD), lambda c, nb: (nb, 0)),
            full(C, HD, HD), full(C, HD), full(C, HD, HD), full(C, HD),
            full(C, HD, HD // 2), full(C, HD // 2), full(C, HD // 2, 1),
            full(C, 1), full(C, HD, HD),
            pl.BlockSpec((1, 1), lambda c, nb: (0, 0),
                         memory_space=pltpu.SMEM),
        ],
        out_specs=[smem_out, smem_out, smem_out],
        out_shape=[jax.ShapeDtypeStruct((C, 1), jnp.float32)] * 3,
        compiler_params=pltpu.CompilerParams(
            dimension_semantics=("arbitrary", "arbitrary")),
    )(nf, W1, b1, W2, b2, A1, ab1, A2, ab2, Wc, dep)


def _sc_gather(nf, idx_out):
    mesh = plsc.VectorSubcoreMesh(core_axis_name="c", subcore_axis_name="s")

    @functools.partial(
        pl.kernel, mesh=mesh,
        out_type=jax.ShapeDtypeStruct((C, 2, EPAD, HD), jnp.float32),
        scratch_types=[
            pltpu.VMEM((GATHER_PER_W,), jnp.int32),
            pltpu.VMEM((GATHER_PER_W, HD), jnp.float32),
            pltpu.SemaphoreType.DMA,
        ],
    )
    def k(nf_hbm, idx_hbm, out_hbm, idx_v, rows_v, sem):
        wid = lax.axis_index("s") * SC_NC + lax.axis_index("c")
        comp = wid // 8
        half = (wid % 8) // 4
        col0 = (wid % 4) * GATHER_PER_W
        pltpu.sync_copy(idx_hbm.at[comp, half, pl.ds(col0, GATHER_PER_W)],
                        idx_v)
        pltpu.async_copy(nf_hbm.at[idx_v], rows_v, sem).wait()
        pltpu.sync_copy(rows_v, out_hbm.at[comp, half,
                                           pl.ds(col0, GATHER_PER_W)])

    return k(nf, idx_out)


def _vexp(s):
    return jnp.max(jnp.exp(jnp.full((8, 128), s, dtype=jnp.float32)))


def _combine_body(scan_ref, x01_ref, feat_ref, att_ref, struct_ref,
                  theta_ref, gates_ref, edge_ref):
    beta = 0.6
    eps = 0.01
    theta = theta_ref[0, 0]
    imp = []
    for c in range(C):
        feat = jnp.sqrt(feat_ref[c, 0])
        struct = jnp.sqrt(struct_ref[c, 0])
        s_att = att_ref[c, 0] / float(N)
        imp.append(beta * struct * feat + (1.0 - beta) * s_att)
    m = jnp.maximum(jnp.maximum(imp[0], imp[1]), jnp.maximum(imp[2], imp[3]))
    ex = [_vexp(v - m) for v in imp]
    tot = ex[0] + ex[1] + ex[2] + ex[3]
    comp = [e / tot for e in ex]
    gates = [jnp.clip((p - theta) / eps + 0.5, 0.0, 1.0) for p in comp]
    best = gates[0]
    besti = jnp.int32(0)
    for c in range(1, C):
        take = gates[c] > best
        best = jnp.where(take, gates[c], best)
        besti = jnp.where(take, jnp.int32(c), besti)
    ones = jnp.ones((1, HD), dtype=jnp.float32)
    cdims = (((1,), (1,)), ((), ()))
    for c in range(C):
        g = jnp.maximum(gates[c], (besti == c).astype(jnp.float32))
        gates_ref[c, 0] = g
        gmask = (g > 0.5).astype(jnp.float32)
        sc = scan_ref[c]
        cnt = sc[0:1]
        v0 = sc[1:2]
        v1 = sc[2:3]
        x0 = x01_ref[c, 0]
        x1 = x01_ref[c, 1]
        dots = lax.dot_general(ones, x0 * x1, cdims,
                               precision=jax.lax.Precision.HIGHEST,
                               preferred_element_type=jnp.float32)
        s0 = lax.dot_general(ones, x0 * x0, cdims,
                             precision=jax.lax.Precision.HIGHEST,
                             preferred_element_type=jnp.float32)
        s1 = lax.dot_general(ones, x1 * x1, cdims,
                             precision=jax.lax.Precision.HIGHEST,
                             preferred_element_type=jnp.float32)
        n0n = jnp.maximum(jnp.sqrt(s0), 1e-8)
        n1n = jnp.maximum(jnp.sqrt(s1), 1e-8)
        cos = dots / (n0n * n1n)
        edge = jnp.where(cnt >= 2.0, v0 * v1 * cos, 0.1) * gmask
        edge_ref[c:c + 1, :] = edge


def _combine_call(scan_out, x01, feat_sq, att_sum, struct_sq, theta):
    smem_in = pl.BlockSpec((C, 1), lambda: (0, 0), memory_space=pltpu.SMEM)
    return pl.pallas_call(
        _combine_body,
        grid=(),
        in_specs=[
            pl.BlockSpec((C, 8, EPAD), lambda: (0, 0, 0)),
            pl.BlockSpec((C, 2, EPAD, HD), lambda: (0, 0, 0, 0)),
            smem_in, smem_in, smem_in,
            pl.BlockSpec((1, 1), lambda: (0, 0), memory_space=pltpu.SMEM),
        ],
        out_specs=[
            pl.BlockSpec((C, 1), lambda: (0, 0), memory_space=pltpu.SMEM),
            pl.BlockSpec((C, EPAD), lambda: (0, 0)),
        ],
        out_shape=[
            jax.ShapeDtypeStruct((C, 1), jnp.float32),
            jax.ShapeDtypeStruct((C, EPAD), jnp.float32),
        ],
    )(scan_out, x01, feat_sq, att_sum, struct_sq, theta)


def kernel(incidence_matrices, node_features, epoch, W1, b1, W2, b2, Wc,
           A1, ab1, A2, ab2):
    lam = 0.05
    th0 = 0.3
    thmax = 0.7
    theta = th0 + (1.0 - jnp.exp(
        -lam * jnp.asarray(epoch, dtype=jnp.float32))) * (thmax - th0)
    theta = theta.reshape(1, 1)

    scan_out, idx_out = _scan_call(incidence_matrices)
    x01 = _sc_gather(node_features, idx_out)
    dep = (scan_out[0:1, 0:1, 0] * 0.0).reshape(1, 1)
    feat_sq, att_sum, struct_sq = _mlp_call(node_features, W1, b1, W2, b2,
                                            A1, ab1, A2, ab2, Wc, dep)
    gates, edge = _combine_call(scan_out, x01, feat_sq, att_sum,
                                struct_sq, theta)
    return jnp.concatenate([gates, edge[:, :E_CAP]], axis=1)

# --- scband reference (transcript-rebuilt; emitter-appended) ---
"""Pipeline reference for scband-tri-prune-hgnn-complete-7352984011021 (READ-ONLY COPY).

The authoritative reference and input builder live on the scoring server;
editing this copy changes nothing except your own understanding.
"""

import jax, jax.numpy as jnp
import numpy as np

C = 4
N = 10000
E = 1000
HD = 128
E_CAP = 500


def _forward(incidence_matrices, node_features, W1, b1, W2, b2, Wc, A1, ab1, A2, ab2, epoch):
    beta = 0.6
    eps = 0.01
    lam = 0.05
    th0 = 0.3
    thmax = 0.7
    # Component MLP per behavior: Linear -> ReLU -> Linear
    Xk = jnp.einsum('nd,cdh->cnh', node_features, W1) + b1[:, None, :]
    Xk = jax.nn.relu(Xk)
    Xk = jnp.einsum('cnh,che->cne', Xk, W2) + b2[:, None, :]
    # Attention scorer: Linear -> ReLU -> Linear -> sigmoid -> mean
    att = jnp.einsum('cnh,chm->cnm', Xk, A1) + ab1[:, None, :]
    att = jax.nn.relu(att)
    att = jnp.einsum('cnm,cmo->cno', att, A2) + ab2[:, None, :]
    att = jax.nn.sigmoid(att)
    S_att = jnp.mean(att, axis=(1, 2))  # [C]
    # Eq 4: component importance
    struct = jnp.sqrt(jnp.sum(Wc ** 2, axis=(1, 2)))
    feat = jnp.sqrt(jnp.sum(Xk ** 2, axis=(1, 2)))
    imp = beta * struct * feat + (1.0 - beta) * S_att
    comp_imp = jax.nn.softmax(imp, axis=0)
    # Eq 3: threshold schedule + hard sigmoid gating
    theta = th0 + (1.0 - jnp.exp(-lam * jnp.asarray(epoch, dtype=jnp.float32))) * (thmax - th0)
    gates = jnp.clip((comp_imp - theta) / eps + 0.5, 0.0, 1.0)
    K_min = max(1, int(0.1 * C))
    _, top_idx = jax.lax.top_k(gates, min(K_min, C))
    safe = jnp.zeros_like(gates).at[top_idx].set(1.0)
    gates = jnp.maximum(gates, safe)
    # Edge-level importance on first E_CAP edges: first valid node pair per hyperedge
    Hc = incidence_matrices[:, :, :E_CAP]  # [C, N, E_CAP]
    nz = Hc != 0
    count = jnp.sum(nz, axis=1)  # [C, E_CAP]
    n0 = jnp.argmax(nz, axis=1)  # first nonzero node per edge
    idx = jnp.arange(N)[None, :, None]
    nz2 = nz & (idx != n0[:, None, :])
    n1 = jnp.argmax(nz2, axis=1)  # second nonzero node per edge
    x0 = node_features[n0]  # [C, E_CAP, HD]
    x1 = node_features[n1]
    norm0 = jnp.maximum(jnp.sqrt(jnp.sum(x0 ** 2, -1)), 1e-8)
    norm1 = jnp.maximum(jnp.sqrt(jnp.sum(x1 ** 2, -1)), 1e-8)
    cos = jnp.sum(x0 * x1, -1) / (norm0 * norm1)
    A0 = jnp.take_along_axis(Hc, n0[:, None, :], axis=1)[:, 0, :]
    A1v = jnp.take_along_axis(Hc, n1[:, None, :], axis=1)[:, 0, :]
    Aij = A0 * A1v  # Eq 5 incidence weight
    edge_imp = jnp.where(count >= 2, Aij * cos, 0.1)
    gate_mask = (gates > 0.5).astype(jnp.float32)
    edge_imp = edge_imp * gate_mask[:, None]
    out = jnp.concatenate([gates[:, None], edge_imp], axis=1)  # [C, 1 + E_CAP]
    return out


def setup_inputs(seed: int = 0):
    key = jax.random.key(seed)
    ks = jax.random.split(key, 12)
    inp = {}
    inp['incidence_matrices'] = jax.random.normal(ks[0], (C, N, E), dtype=jnp.float32)
    inp['node_features'] = jax.random.normal(ks[1], (N, HD), dtype=jnp.float32)
    inp['epoch'] = 5
    inp['W1'] = jax.random.normal(ks[2], (C, HD, HD), dtype=jnp.float32) * 0.05
    inp['b1'] = jnp.zeros((C, HD), dtype=jnp.float32)
    inp['W2'] = jax.random.normal(ks[3], (C, HD, HD), dtype=jnp.float32) * 0.05
    inp['b2'] = jnp.zeros((C, HD), dtype=jnp.float32)
    inp['Wc'] = jax.random.normal(ks[4], (C, HD, HD), dtype=jnp.float32) * 0.01
    inp['A1'] = jax.random.normal(ks[5], (C, HD, HD // 2), dtype=jnp.float32) * 0.05
    inp['ab1'] = jnp.zeros((C, HD // 2), dtype=jnp.float32)
    inp['A2'] = jax.random.normal(ks[6], (C, HD // 2, 1), dtype=jnp.float32) * 0.05
    inp['ab2'] = jnp.zeros((C, 1), dtype=jnp.float32)
    return inp


def reference(incidence_matrices, node_features, epoch, W1, b1, W2, b2, Wc, A1, ab1, A2, ab2):
    return _forward(incidence_matrices, node_features, W1, b1, W2, b2, Wc, A1, ab1, A2, ab2, epoch)

if __name__ == "__main__":
    import jax
    _d = setup_inputs()
    print(jax.jit(kernel)(*tuple(_d.values())))

</pallas_src>

<mosaic_0001>
#map = affine_map<(d0, d1) -> (0, 0)>
#map1 = affine_map<(d0, d1) -> (0, 0, 0)>
#map2 = affine_map<(d0, d1) -> (0, 0, 0, 0)>
module attributes {stable_mosaic.version = 14 : i64} {
  func.func @k(%arg0: i32, %arg1: i32, %arg2: memref<10000x128xf32, #tpu.memory_space<hbm>>, %arg3: memref<4x8x512xi32, #tpu.memory_space<hbm>>, %arg4: memref<4x2x512x128xf32, #tpu.memory_space<hbm>>, %arg5: memref<128xi32, #tpu.memory_space<vmem>>, %arg6: memref<128x128xf32, #tpu.memory_space<vmem>>, %arg7: memref<!tpu.dma_semaphore, #tpu.memory_space<semaphore_mem>>) attributes {dimension_semantics = [#tpu.dimension_semantics<core_parallel>, #tpu.dimension_semantics<subcore_parallel>], iteration_bounds = array<i64: 2, 16>, scalar_prefetch = 0 : i64, scratch_operands = 3 : i64, tpu.core_type = #tpu.core_type<sc_vector_subcore>, window_params = [{transform_indices = #map}, {transform_indices = #map1}, {transform_indices = #map2}]} {
    %mul3A = arith.constant 2 : i32
    %mul3A_0 = arith.muli %arg1, %mul3A : i32
    %add3A = arith.addi %mul3A_0, %arg0 : i32
    %jit3A = arith.constant 8 : i32
    %div3A = arith.divsi %add3A, %jit3A : i32
    %sign3A = arith.constant 0 : i32
    %sign3A_1 = arith.cmpi sgt, %add3A, %sign3A : i32
    %sign3A_2 = arith.extui %sign3A_1 : i1 to i32
    %sign3A_3 = arith.constant 0 : i32
    %sign3A_4 = arith.cmpi slt, %add3A, %sign3A_3 : i32
    %sign3A_5 = arith.extui %sign3A_4 : i1 to i32
    %sign3A_6 = arith.subi %sign3A_2, %sign3A_5 : i32
    %sign3A_7 = arith.constant 0 : i32
    %sign3A_8 = arith.cmpi sgt, %jit3A, %sign3A_7 : i32
    %sign3A_9 = arith.extui %sign3A_8 : i1 to i32
    %sign3A_10 = arith.constant 0 : i32
    %sign3A_11 = arith.cmpi slt, %jit3A, %sign3A_10 : i32
    %sign3A_12 = arith.extui %sign3A_11 : i1 to i32
    %sign3A_13 = arith.subi %sign3A_9, %sign3A_12 : i32
    %ne3A = arith.cmpi ne, %sign3A_6, %sign3A_13 : i32
    %rem3A = arith.remsi %add3A, %jit3A : i32
    %ne3A_14 = arith.constant 0 : i32
    %ne3A_15 = arith.cmpi ne, %rem3A, %ne3A_14 : i32
    %and3A = arith.andi %ne3A, %ne3A_15 : i1
    %sub3A = arith.constant 1 : i32
    %sub3A_16 = arith.subi %div3A, %sub3A : i32
    %select_n3A = arith.select %and3A, %sub3A_16, %div3A : i32
    %jit3A_17 = arith.constant 8 : i32
    %eq3A = arith.constant 0 : i32
    %eq3A_18 = arith.cmpi eq, %jit3A_17, %eq3A : i32
    %jit3A_19 = arith.constant 1 : i32
    %select_n3A_20 = arith.select %eq3A_18, %jit3A_19, %jit3A_17 : i32
    %rem3A_21 = arith.remsi %add3A, %select_n3A_20 : i32
    %ne3A_22 = arith.constant 0 : i32
    %ne3A_23 = arith.cmpi ne, %rem3A_21, %ne3A_22 : i32
    %lt3A = arith.constant 0 : i32
    %lt3A_24 = arith.cmpi slt, %rem3A_21, %lt3A : i32
    %lt3A_25 = arith.constant 0 : i32
    %lt3A_26 = arith.cmpi slt, %select_n3A_20, %lt3A_25 : i32
    %ne3A_27 = arith.xori %lt3A_24, %lt3A_26 : i1
    %and3A_28 = arith.andi %ne3A_27, %ne3A_23 : i1
    %add3A_29 = arith.addi %rem3A_21, %select_n3A_20 : i32
    %select_n3A_30 = arith.select %and3A_28, %add3A_29, %rem3A_21 : i32
    %jit3A_31 = arith.constant 4 : i32
    %div3A_32 = arith.divsi %select_n3A_30, %jit3A_31 : i32
    %sign3A_33 = arith.constant 0 : i32
    %sign3A_34 = arith.cmpi sgt, %select_n3A_30, %sign3A_33 : i32
    %sign3A_35 = arith.extui %sign3A_34 : i1 to i32
    %sign3A_36 = arith.constant 0 : i32
    %sign3A_37 = arith.cmpi slt, %select_n3A_30, %sign3A_36 : i32
    %sign3A_38 = arith.extui %sign3A_37 : i1 to i32
    %sign3A_39 = arith.subi %sign3A_35, %sign3A_38 : i32
    %sign3A_40 = arith.constant 0 : i32
    %sign3A_41 = arith.cmpi sgt, %jit3A_31, %sign3A_40 : i32
    %sign3A_42 = arith.extui %sign3A_41 : i1 to i32
    %sign3A_43 = arith.constant 0 : i32
    %sign3A_44 = arith.cmpi slt, %jit3A_31, %sign3A_43 : i32
    %sign3A_45 = arith.extui %sign3A_44 : i1 to i32
    %sign3A_46 = arith.subi %sign3A_42, %sign3A_45 : i32
    %ne3A_47 = arith.cmpi ne, %sign3A_39, %sign3A_46 : i32
    %rem3A_48 = arith.remsi %select_n3A_30, %jit3A_31 : i32
    %ne3A_49 = arith.constant 0 : i32
    %ne3A_50 = arith.cmpi ne, %rem3A_48, %ne3A_49 : i32
    %and3A_51 = arith.andi %ne3A_47, %ne3A_50 : i1
    %sub3A_52 = arith.constant 1 : i32
    %sub3A_53 = arith.subi %div3A_32, %sub3A_52 : i32
    %select_n3A_54 = arith.select %and3A_51, %sub3A_53, %div3A_32 : i32
    %jit3A_55 = arith.constant 4 : i32
    %eq3A_56 = arith.constant 0 : i32
    %eq3A_57 = arith.cmpi eq, %jit3A_55, %eq3A_56 : i32
    %jit3A_58 = arith.constant 1 : i32
    %select_n3A_59 = arith.select %eq3A_57, %jit3A_58, %jit3A_55 : i32
    %rem3A_60 = arith.remsi %add3A, %select_n3A_59 : i32
    %ne3A_61 = arith.constant 0 : i32
    %ne3A_62 = arith.cmpi ne, %rem3A_60, %ne3A_61 : i32
    %lt3A_63 = arith.constant 0 : i32
    %lt3A_64 = arith.cmpi slt, %rem3A_60, %lt3A_63 : i32
    %lt3A_65 = arith.constant 0 : i32
    %lt3A_66 = arith.cmpi slt, %select_n3A_59, %lt3A_65 : i32
    %ne3A_67 = arith.xori %lt3A_64, %lt3A_66 : i1
    %and3A_68 = arith.andi %ne3A_67, %ne3A_62 : i1
    %add3A_69 = arith.addi %rem3A_60, %select_n3A_59 : i32
    %select_n3A_70 = arith.select %and3A_68, %add3A_69, %rem3A_60 : i32
    %mul3A_71 = arith.constant 128 : i32
    %mul3A_72 = arith.muli %select_n3A_70, %mul3A_71 : i32
    "tpu.region"() ({
      %run_scoped3A = tpu.sem_alloc : memref<!tpu.dma_semaphore, #tpu.memory_space<semaphore_mem>>
      %dma_start3A_77 = tpu.memref_slice %arg3[%select_n3A, %select_n3A_54, %mul3A_72] : memref<4x8x512xi32, #tpu.memory_space<hbm>> -> memref<1x1x128xi32, #tpu.memory_space<hbm>>
      %dma_start3A_78 = tpu.memref_squeeze %dma_start3A_77 : memref<1x1x128xi32, #tpu.memory_space<hbm>> -> memref<128xi32, #tpu.memory_space<hbm>>
      %dma_start3A_79 = tpu.memref_slice %arg3[%select_n3A, %select_n3A_54, %mul3A_72] : memref<4x8x512xi32, #tpu.memory_space<hbm>> -> memref<1x1x128xi32, #tpu.memory_space<hbm>>
      %dma_start3A_80 = tpu.memref_squeeze %dma_start3A_79 : memref<1x1x128xi32, #tpu.memory_space<hbm>> -> memref<128xi32, #tpu.memory_space<hbm>>
      tpu.enqueue_dma source(%dma_start3A_80 : memref<128xi32, #tpu.memory_space<hbm>>) target(%arg5 : memref<128xi32, #tpu.memory_space<vmem>>) target_semaphore(%run_scoped3A : memref<!tpu.dma_semaphore, #tpu.memory_space<semaphore_mem>>)
      %dma_wait3A_81 = tpu.memref_slice %arg3[%select_n3A, %select_n3A_54, %mul3A_72] : memref<4x8x512xi32, #tpu.memory_space<hbm>> -> memref<1x1x128xi32, #tpu.memory_space<hbm>>
      %dma_wait3A_82 = tpu.memref_squeeze %dma_wait3A_81 : memref<1x1x128xi32, #tpu.memory_space<hbm>> -> memref<128xi32, #tpu.memory_space<hbm>>
      %dma_wait3A_83 = tpu.memref_slice %arg3[%select_n3A, %select_n3A_54, %mul3A_72] : memref<4x8x512xi32, #tpu.memory_space<hbm>> -> memref<1x1x128xi32, #tpu.memory_space<hbm>>
      %dma_wait3A_84 = tpu.memref_squeeze %dma_wait3A_83 : memref<1x1x128xi32, #tpu.memory_space<hbm>> -> memref<128xi32, #tpu.memory_space<hbm>>
      tpu.wait_dma2 semaphore(%run_scoped3A : memref<!tpu.dma_semaphore, #tpu.memory_space<semaphore_mem>>) src(%dma_wait3A_84 : memref<128xi32, #tpu.memory_space<hbm>>) dst(%arg5 : memref<128xi32, #tpu.memory_space<vmem>>)
      tpu.yield
    }) : () -> ()
    %dma_start3A = arith.constant 0 : i32
    %dma_start3A_73 = arith.constant 0 : i32
    %dma_start3A_74 = tpu.memref_slice %arg2[%dma_start3A, %dma_start3A_73] : memref<10000x128xf32, #tpu.memory_space<hbm>> -> memref<10000x128xf32, #tpu.memory_space<hbm>>
    tpu.enqueue_indirect_dma source(%dma_start3A_74 : memref<10000x128xf32, #tpu.memory_space<hbm>>) target(%arg6 : memref<128x128xf32, #tpu.memory_space<vmem>>) offsets(%arg5 : memref<128xi32, #tpu.memory_space<vmem>>) semaphore(%arg7 : memref<!tpu.dma_semaphore, #tpu.memory_space<semaphore_mem>>)
    %dma_wait3A = arith.constant 0 : i32
    %dma_wait3A_75 = arith.constant 0 : i32
    %dma_wait3A_76 = tpu.memref_slice %arg2[%dma_wait3A, %dma_wait3A_75] : memref<10000x128xf32, #tpu.memory_space<hbm>> -> memref<10000x128xf32, #tpu.memory_space<hbm>>
    tpu.wait_indirect_dma semaphore(%arg7 : memref<!tpu.dma_semaphore, #tpu.memory_space<semaphore_mem>>) src(%dma_wait3A_76 : memref<10000x128xf32, #tpu.memory_space<hbm>>) dst(%arg6 : memref<128x128xf32, #tpu.memory_space<vmem>>)
    "tpu.region"() ({
      %run_scoped3A = tpu.sem_alloc : memref<!tpu.dma_semaphore, #tpu.memory_space<semaphore_mem>>
      %dma_start3A_77 = arith.constant 0 : i32
      %dma_start3A_78 = tpu.memref_slice %arg4[%select_n3A, %select_n3A_54, %mul3A_72, %dma_start3A_77] : memref<4x2x512x128xf32, #tpu.memory_space<hbm>> -> memref<1x1x128x128xf32, #tpu.memory_space<hbm>>
      %dma_start3A_79 = tpu.memref_squeeze %dma_start3A_78 : memref<1x1x128x128xf32, #tpu.memory_space<hbm>> -> memref<128x128xf32, #tpu.memory_space<hbm>>
      %dma_start3A_80 = arith.constant 0 : i32
      %dma_start3A_81 = tpu.memref_slice %arg4[%select_n3A, %select_n3A_54, %mul3A_72, %dma_start3A_80] : memref<4x2x512x128xf32, #tpu.memory_space<hbm>> -> memref<1x1x128x128xf32, #tpu.memory_space<hbm>>
      %dma_start3A_82 = tpu.memref_squeeze %dma_start3A_81 : memref<1x1x128x128xf32, #tpu.memory_space<hbm>> -> memref<128x128xf32, #tpu.memory_space<hbm>>
      tpu.enqueue_dma source(%arg6 : memref<128x128xf32, #tpu.memory_space<vmem>>) target(%dma_start3A_82 : memref<128x128xf32, #tpu.memory_space<hbm>>) target_semaphore(%run_scoped3A : memref<!tpu.dma_semaphore, #tpu.memory_space<semaphore_mem>>)
      %dma_wait3A_83 = arith.constant 0 : i32
      %dma_wait3A_84 = tpu.memref_slice %arg4[%select_n3A, %select_n3A_54, %mul3A_72, %dma_wait3A_83] : memref<4x2x512x128xf32, #tpu.memory_space<hbm>> -> memref<1x1x128x128xf32, #tpu.memory_space<hbm>>
      %dma_wait3A_85 = tpu.memref_squeeze %dma_wait3A_84 : memref<1x1x128x128xf32, #tpu.memory_space<hbm>> -> memref<128x128xf32, #tpu.memory_space<hbm>>
      %dma_wait3A_86 = arith.constant 0 : i32
      %dma_wait3A_87 = tpu.memref_slice %arg4[%select_n3A, %select_n3A_54, %mul3A_72, %dma_wait3A_86] : memref<4x2x512x128xf32, #tpu.memory_space<hbm>> -> memref<1x1x128x128xf32, #tpu.memory_space<hbm>>
      %dma_wait3A_88 = tpu.memref_squeeze %dma_wait3A_87 : memref<1x1x128x128xf32, #tpu.memory_space<hbm>> -> memref<128x128xf32, #tpu.memory_space<hbm>>
      tpu.wait_dma2 semaphore(%run_scoped3A : memref<!tpu.dma_semaphore, #tpu.memory_space<semaphore_mem>>) src(%arg6 : memref<128x128xf32, #tpu.memory_space<vmem>>) dst(%dma_wait3A_88 : memref<128x128xf32, #tpu.memory_space<hbm>>)
      tpu.yield
    }) : () -> ()
    return
  }
}

module attributes {stable_mosaic.version = 14 : i64} {
  func.func @_scan_body(%arg0: i32, %arg1: i32, %arg2: memref<1x2000x512xf32, #tpu.memory_space<vmem>>, %arg3: memref<1x8x512xf32, #tpu.memory_space<vmem>>, %arg4: memref<1x8x512xi32, #tpu.memory_space<vmem>>) attributes {dimension_semantics = [#tpu.dimension_semantics<arbitrary>, #tpu.dimension_semantics<arbitrary>], iteration_bounds = array<i64: 4, 5>, scalar_prefetch = 0 : i64, scratch_operands = 0 : i64, tpu.core_type = #tpu.core_type<tc>, window_params = [{transform_indices = @transform_0, window_bounds = array<i64: 1, 2000, 512>}, {transform_indices = @transform_1, window_bounds = array<i64: 1, 8, 512>}, {transform_indices = @transform_2, window_bounds = array<i64: 1, 8, 512>}]} {
    %get3A = arith.constant 0 : index
    %get3A_0 = arith.constant 0 : index
    %get3A_1 = arith.constant 0 : index
    %get3A_2 = vector.load %arg2[%get3A, %get3A_0, %get3A_1] : memref<1x2000x512xf32, #tpu.memory_space<vmem>>, vector<1x2000x512xf32>
    %get3A_3 = vector.shape_cast %get3A_2 : vector<1x2000x512xf32> to vector<2000x512xf32>
    %ne3A = arith.constant 0.000000e+00 : f32
    %ne3A_4 = vector.broadcast %ne3A : f32 to vector<2000x512xf32>
    %ne3A_5 = arith.cmpf one, %get3A_3, %ne3A_4 : vector<2000x512xf32>
    %iota3A = tpu.iota {dimensions = array<i32: 0>} : vector<2000x512xi32>
    %mul3A = arith.constant 2000 : i32
    %mul3A_6 = arith.muli %arg1, %mul3A : i32
    %add3A = vector.broadcast %mul3A_6 : i32 to vector<2000x512xi32>
    %add3A_7 = arith.addi %iota3A, %add3A : vector<2000x512xi32>
    %convert_element_type3A = arith.sitofp %add3A_7 : vector<2000x512xi32> to vector<2000x512xf32>
    %jit3A = arith.constant 1.000000e+09 : f32
    %broadcast_in_dim3A = vector.broadcast %jit3A : f32 to vector<2000x512xf32>
    %select_n3A = arith.select %ne3A_5, %convert_element_type3A, %broadcast_in_dim3A : vector<2000x512xi1>, vector<2000x512xf32>
    %reduce_min3A = arith.constant dense<0x7F800000> : vector<512xf32>
    %reduce_min3A_8 = vector.multi_reduction <minimumf>, %select_n3A, %reduce_min3A [0] : vector<2000x512xf32> to vector<512xf32>
    %broadcast_in_dim3A_9 = vector.shape_cast %reduce_min3A_8 : vector<512xf32> to vector<1x512xf32>
    %eq3A = vector.broadcast %broadcast_in_dim3A_9 : vector<1x512xf32> to vector<2000x512xf32>
    %eq3A_10 = arith.cmpf oeq, %convert_element_type3A, %eq3A : vector<2000x512xf32>
    %jit3A_11 = arith.constant 0.000000e+00 : f32
    %broadcast_in_dim3A_12 = vector.broadcast %jit3A_11 : f32 to vector<2000x512xf32>
    %select_n3A_13 = arith.select %eq3A_10, %get3A_3, %broadcast_in_dim3A_12 : vector<2000x512xi1>, vector<2000x512xf32>
    %reduce_sum3A = arith.constant dense<0.000000e+00> : vector<512xf32>
    %reduce_sum3A_14 = vector.multi_reduction <add>, %select_n3A_13, %reduce_sum3A [0] : vector<2000x512xf32> to vector<512xf32>
    %broadcast_in_dim3A_15 = vector.shape_cast %reduce_sum3A_14 : vector<512xf32> to vector<1x512xf32>
    %gt3A = vector.broadcast %broadcast_in_dim3A_9 : vector<1x512xf32> to vector<2000x512xf32>
    %gt3A_16 = arith.cmpf ogt, %convert_element_type3A, %gt3A : vector<2000x512xf32>
    %and3A = arith.andi %ne3A_5, %gt3A_16 : vector<2000x512xi1>
    %jit3A_17 = arith.constant 1.000000e+09 : f32
    %broadcast_in_dim3A_18 = vector.broadcast %jit3A_17 : f32 to vector<2000x512xf32>
    %select_n3A_19 = arith.select %and3A, %convert_element_type3A, %broadcast_in_dim3A_18 : vector<2000x512xi1>, vector<2000x512xf32>
    %reduce_min3A_20 = arith.constant dense<0x7F800000> : vector<512xf32>
    %reduce_min3A_21 = vector.multi_reduction <minimumf>, %select_n3A_19, %reduce_min3A_20 [0] : vector<2000x512xf32> to vector<512xf32>
    %broadcast_in_dim3A_22 = vector.shape_cast %reduce_min3A_21 : vector<512xf32> to vector<1x512xf32>
    %eq3A_23 = vector.broadcast %broadcast_in_dim3A_22 : vector<1x512xf32> to vector<2000x512xf32>
    %eq3A_24 = arith.cmpf oeq, %convert_element_type3A, %eq3A_23 : vector<2000x512xf32>
    %jit3A_25 = arith.constant 0.000000e+00 : f32
    %broadcast_in_dim3A_26 = vector.broadcast %jit3A_25 : f32 to vector<2000x512xf32>
    %select_n3A_27 = arith.select %eq3A_24, %get3A_3, %broadcast_in_dim3A_26 : vector<2000x512xi1>, vector<2000x512xf32>
    %reduce_sum3A_28 = arith.constant dense<0.000000e+00> : vector<512xf32>
    %reduce_sum3A_29 = vector.multi_reduction <add>, %select_n3A_27, %reduce_sum3A_28 [0] : vector<2000x512xf32> to vector<512xf32>
    %broadcast_in_dim3A_30 = vector.shape_cast %reduce_sum3A_29 : vector<512xf32> to vector<1x512xf32>
    %convert_element_type3A_31 = arith.extui %ne3A_5 : vector<2000x512xi1> to vector<2000x512xi32>
    %convert_element_type3A_32 = arith.sitofp %convert_element_type3A_31 : vector<2000x512xi32> to vector<2000x512xf32>
    %reduce_sum3A_33 = arith.constant dense<0.000000e+00> : vector<512xf32>
    %reduce_sum3A_34 = vector.multi_reduction <add>, %convert_element_type3A_32, %reduce_sum3A_33 [0] : vector<2000x512xf32> to vector<512xf32>
    %broadcast_in_dim3A_35 = vector.shape_cast %reduce_sum3A_34 : vector<512xf32> to vector<1x512xf32>
    %broadcast_in_dim3A_36 = arith.constant 0.000000e+00 : f32
    %broadcast_in_dim3A_37 = vector.broadcast %broadcast_in_dim3A_36 : f32 to vector<3x512xf32>
    %eq3A_38 = arith.constant 0 : i32
    %eq3A_39 = arith.cmpi eq, %arg1, %eq3A_38 : i32
    %convert_element_type3A_40 = arith.extui %eq3A_39 : i1 to i32
    %cond3A = arith.constant 0 : i32
    %cond3A_41 = arith.cmpi ne, %convert_element_type3A_40, %cond3A : i32
    scf.if %cond3A_41 {
      %concatenate3A = tpu.concatenate %broadcast_in_dim3A_35, %broadcast_in_dim3A_15, %broadcast_in_dim3A_30, %broadcast_in_dim3A_9, %broadcast_in_dim3A_22, %broadcast_in_dim3A_37 in 0 : vector<1x512xf32>, vector<1x512xf32>, vector<1x512xf32>, vector<1x512xf32>, vector<1x512xf32>, vector<3x512xf32> -> vector<8x512xf32>
      %swap3A = arith.constant 0 : index
      %swap3A_52 = arith.constant 0 : index
      %swap3A_53 = arith.constant 0 : index
      %swap3A_54 = vector.load %arg3[%swap3A, %swap3A_52, %swap3A_53] : memref<1x8x512xf32, #tpu.memory_space<vmem>>, vector<1x8x512xf32>
      %swap3A_55 = vector.shape_cast %swap3A_54 : vector<1x8x512xf32> to vector<8x512xf32>
      %swap3A_56 = vector.shape_cast %concatenate3A : vector<8x512xf32> to vector<1x8x512xf32>
      tpu.vector_store %arg3[%swap3A, %swap3A_52, %swap3A_53], %swap3A_56 {strides = array<i32>} : memref<1x8x512xf32, #tpu.memory_space<vmem>>, vector<1x8x512xf32>,
    } else {
    }
    %ne3A_42 = arith.constant 0 : i32
    %ne3A_43 = arith.cmpi ne, %arg1, %ne3A_42 : i32
    %convert_element_type3A_44 = arith.extui %ne3A_43 : i1 to i32
    %cond3A_45 = arith.constant 0 : i32
    %cond3A_46 = arith.cmpi ne, %convert_element_type3A_44, %cond3A_45 : i32
    scf.if %cond3A_46 {
      %get3A_52 = arith.constant 0 : index
      %get3A_53 = arith.constant 0 : index
      %get3A_54 = arith.constant 0 : index
      %get3A_55 = vector.load %arg3[%get3A_52, %get3A_53, %get3A_54] : memref<1x8x512xf32, #tpu.memory_space<vmem>>, vector<1x8x512xf32>
      %get3A_56 = vector.shape_cast %get3A_55 : vector<1x8x512xf32> to vector<8x512xf32>
      %slice3A = vector.extract_strided_slice %get3A_56 {offsets = [0, 0], sizes = [1, 512], strides = [1, 1]} : vector<8x512xf32> to vector<1x512xf32>
      %slice3A_57 = vector.extract_strided_slice %get3A_56 {offsets = [1, 0], sizes = [1, 512], strides = [1, 1]} : vector<8x512xf32> to vector<1x512xf32>
      %slice3A_58 = vector.extract_strided_slice %get3A_56 {offsets = [2, 0], sizes = [1, 512], strides = [1, 1]} : vector<8x512xf32> to vector<1x512xf32>
      %slice3A_59 = vector.extract_strided_slice %get3A_56 {offsets = [3, 0], sizes = [1, 512], strides = [1, 1]} : vector<8x512xf32> to vector<1x512xf32>
      %slice3A_60 = vector.extract_strided_slice %get3A_56 {offsets = [4, 0], sizes = [1, 512], strides = [1, 1]} : vector<8x512xf32> to vector<1x512xf32>
      %eq3A_61 = arith.constant 0.000000e+00 : f32
      %eq3A_62 = vector.broadcast %eq3A_61 : f32 to vector<1x512xf32>
      %eq3A_63 = arith.cmpf oeq, %slice3A, %eq3A_62 : vector<1x512xf32>
      %eq3A_64 = arith.constant 1.000000e+00 : f32
      %eq3A_65 = vector.broadcast %eq3A_64 : f32 to vector<1x512xf32>
      %eq3A_66 = arith.cmpf oeq, %slice3A, %eq3A_65 : vector<1x512xf32>
      %select_n3A_67 = arith.select %eq3A_63, %broadcast_in_dim3A_9, %slice3A_59 : vector<1x512xi1>, vector<1x512xf32>
      %select_n3A_68 = arith.select %eq3A_63, %broadcast_in_dim3A_15, %slice3A_57 : vector<1x512xi1>, vector<1x512xf32>
      %select_n3A_69 = arith.select %eq3A_66, %broadcast_in_dim3A_9, %slice3A_60 : vector<1x512xi1>, vector<1x512xf32>
      %select_n3A_70 = arith.select %eq3A_63, %broadcast_in_dim3A_22, %select_n3A_69 : vector<1x512xi1>, vector<1x512xf32>
      %select_n3A_71 = arith.select %eq3A_66, %broadcast_in_dim3A_15, %slice3A_58 : vector<1x512xi1>, vector<1x512xf32>
      %select_n3A_72 = arith.select %eq3A_63, %broadcast_in_dim3A_30, %select_n3A_71 : vector<1x512xi1>, vector<1x512xf32>
      %add3A_73 = arith.addf %slice3A, %broadcast_in_dim3A_35 : vector<1x512xf32>
      %concatenate3A = tpu.concatenate %add3A_73, %select_n3A_68, %select_n3A_72, %select_n3A_67, %select_n3A_70, %broadcast_in_dim3A_37 in 0 : vector<1x512xf32>, vector<1x512xf32>, vector<1x512xf32>, vector<1x512xf32>, vector<1x512xf32>, vector<3x512xf32> -> vector<8x512xf32>
      %swap3A = arith.constant 0 : index
      %swap3A_74 = arith.constant 0 : index
      %swap3A_75 = arith.constant 0 : index
      %swap3A_76 = vector.load %arg3[%swap3A, %swap3A_74, %swap3A_75] : memref<1x8x512xf32, #tpu.memory_space<vmem>>, vector<1x8x512xf32>
      %swap3A_77 = vector.shape_cast %swap3A_76 : vector<1x8x512xf32> to vector<8x512xf32>
      %swap3A_78 = vector.shape_cast %concatenate3A : vector<8x512xf32> to vector<1x8x512xf32>
      tpu.vector_store %arg3[%swap3A, %swap3A_74, %swap3A_75], %swap3A_78 {strides = array<i32>} : memref<1x8x512xf32, #tpu.memory_space<vmem>>, vector<1x8x512xf32>,
    } else {
    }
    %eq3A_47 = arith.constant 4 : i32
    %eq3A_48 = arith.cmpi eq, %arg1, %eq3A_47 : i32
    %convert_element_type3A_49 = arith.extui %eq3A_48 : i1 to i32
    %cond3A_50 = arith.constant 0 : i32
    %cond3A_51 = arith.cmpi ne, %convert_element_type3A_49, %cond3A_50 : i32
    scf.if %cond3A_51 {
      %get3A_52 = arith.constant 0 : index
      %get3A_53 = arith.constant 0 : index
      %get3A_54 = arith.constant 0 : index
      %get3A_55 = vector.load %arg3[%get3A_52, %get3A_53, %get3A_54] : memref<1x8x512xf32, #tpu.memory_space<vmem>>, vector<1x8x512xf32>
      %get3A_56 = vector.shape_cast %get3A_55 : vector<1x8x512xf32> to vector<8x512xf32>
      %slice3A = vector.extract_strided_slice %get3A_56 {offsets = [3, 0], sizes = [1, 512], strides = [1, 1]} : vector<8x512xf32> to vector<1x512xf32>
      %slice3A_57 = vector.extract_strided_slice %get3A_56 {offsets = [4, 0], sizes = [1, 512], strides = [1, 1]} : vector<8x512xf32> to vector<1x512xf32>
      %lt3A = arith.constant 1.000000e+04 : f32
      %lt3A_58 = vector.broadcast %lt3A : f32 to vector<1x512xf32>
      %lt3A_59 = arith.cmpf olt, %slice3A, %lt3A_58 : vector<1x512xf32>
      %jit3A_60 = arith.constant 0.000000e+00 : f32
      %broadcast_in_dim3A_61 = vector.broadcast %jit3A_60 : f32 to vector<1x512xf32>
      %select_n3A_62 = arith.select %lt3A_59, %slice3A, %broadcast_in_dim3A_61 : vector<1x512xi1>, vector<1x512xf32>
      %convert_element_type3A_63 = arith.fptosi %select_n3A_62 : vector<1x512xf32> to vector<1x512xi32>
      %lt3A_64 = arith.constant 1.000000e+04 : f32
      %lt3A_65 = vector.broadcast %lt3A_64 : f32 to vector<1x512xf32>
      %lt3A_66 = arith.cmpf olt, %slice3A_57, %lt3A_65 : vector<1x512xf32>
      %jit3A_67 = arith.constant 0.000000e+00 : f32
      %broadcast_in_dim3A_68 = vector.broadcast %jit3A_67 : f32 to vector<1x512xf32>
      %select_n3A_69 = arith.select %lt3A_66, %slice3A_57, %broadcast_in_dim3A_68 : vector<1x512xi1>, vector<1x512xf32>
      %convert_element_type3A_70 = arith.fptosi %select_n3A_69 : vector<1x512xf32> to vector<1x512xi32>
      %broadcast_in_dim3A_71 = arith.constant 0 : i32
      %broadcast_in_dim3A_72 = vector.broadcast %broadcast_in_dim3A_71 : i32 to vector<6x512xi32>
      %concatenate3A = tpu.concatenate %convert_element_type3A_63, %convert_element_type3A_70, %broadcast_in_dim3A_72 in 0 : vector<1x512xi32>, vector<1x512xi32>, vector<6x512xi32> -> vector<8x512xi32>
      %swap3A = arith.constant 0 : index
      %swap3A_73 = arith.constant 0 : index
      %swap3A_74 = arith.constant 0 : index
      %swap3A_75 = vector.load %arg4[%swap3A, %swap3A_73, %swap3A_74] : memref<1x8x512xi32, #tpu.memory_space<vmem>>, vector<1x8x512xi32>
      %swap3A_76 = vector.shape_cast %swap3A_75 : vector<1x8x512xi32> to vector<8x512xi32>
      %swap3A_77 = vector.shape_cast %concatenate3A : vector<8x512xi32> to vector<1x8x512xi32>
      tpu.vector_store %arg4[%swap3A, %swap3A_73, %swap3A_74], %swap3A_77 {strides = array<i32>} : memref<1x8x512xi32, #tpu.memory_space<vmem>>, vector<1x8x512xi32>,
    } else {
    }
    return
  }
  func.func @transform_0(%arg0: i32, %arg1: i32) -> (i32, i32, i32) {
    %c0_i32 = arith.constant 0 : i32
    %c0_i32_0 = arith.constant 0 : i32
    return %arg0, %arg1, %c0_i32 : i32, i32, i32
  }
  func.func @transform_1(%arg0: i32, %arg1: i32) -> (i32, i32, i32) {
    %c0_i32 = arith.constant 0 : i32
    %c0_i32_0 = arith.constant 0 : i32
    %c0_i32_1 = arith.constant 0 : i32
    return %arg0, %c0_i32, %c0_i32_0 : i32, i32, i32
  }
  func.func @transform_2(%arg0: i32, %arg1: i32) -> (i32, i32, i32) {
    %c0_i32 = arith.constant 0 : i32
    %c0_i32_0 = arith.constant 0 : i32
    %c0_i32_1 = arith.constant 0 : i32
    return %arg0, %c0_i32, %c0_i32_0 : i32, i32, i32
  }
}

module attributes {stable_mosaic.version = 14 : i64} {
  func.func @_mlp_body(%arg0: i32, %arg1: i32, %arg2: memref<2000x128xf32, #tpu.memory_space<vmem>>, %arg3: memref<4x128x128xf32, #tpu.memory_space<vmem>>, %arg4: memref<4x128xf32, #tpu.memory_space<vmem>>, %arg5: memref<4x128x128xf32, #tpu.memory_space<vmem>>, %arg6: memref<4x128xf32, #tpu.memory_space<vmem>>, %arg7: memref<4x128x64xf32, #tpu.memory_space<vmem>>, %arg8: memref<4x64xf32, #tpu.memory_space<vmem>>, %arg9: memref<4x64x1xf32, #tpu.memory_space<vmem>>, %arg10: memref<4x1xf32, #tpu.memory_space<vmem>>, %arg11: memref<4x128x128xf32, #tpu.memory_space<vmem>>, %arg12: memref<1x1xf32, #tpu.memory_space<smem>>, %arg13: memref<4x1xf32, #tpu.memory_space<smem>>, %arg14: memref<4x1xf32, #tpu.memory_space<smem>>, %arg15: memref<4x1xf32, #tpu.memory_space<smem>>) attributes {dimension_semantics = [#tpu.dimension_semantics<arbitrary>, #tpu.dimension_semantics<arbitrary>], iteration_bounds = array<i64: 4, 5>, scalar_prefetch = 0 : i64, scratch_operands = 0 : i64, tpu.core_type = #tpu.core_type<tc>, window_params = [{transform_indices = @transform_0, window_bounds = array<i64: 2000, 128>}, {pipeline_mode = #tpu.pipeline_mode<synchronous>, transform_indices = @transform_1, window_bounds = array<i64: 4, 128, 128>}, {pipeline_mode = #tpu.pipeline_mode<synchronous>, transform_indices = @transform_2, window_bounds = array<i64: 4, 128>}, {pipeline_mode = #tpu.pipeline_mode<synchronous>, transform_indices = @transform_3, window_bounds = array<i64: 4, 128, 128>}, {pipeline_mode = #tpu.pipeline_mode<synchronous>, transform_indices = @transform_4, window_bounds = array<i64: 4, 128>}, {pipeline_mode = #tpu.pipeline_mode<synchronous>, transform_indices = @transform_5, window_bounds = array<i64: 4, 128, 64>}, {pipeline_mode = #tpu.pipeline_mode<synchronous>, transform_indices = @transform_6, window_bounds = array<i64: 4, 64>}, {pipeline_mode = #tpu.pipeline_mode<synchronous>, transform_indices = @transform_7, window_bounds = array<i64: 4, 64, 1>}, {pipeline_mode = #tpu.pipeline_mode<synchronous>, transform_indices = @transform_8, window_bounds = array<i64: 4, 1>}, {pipeline_mode = #tpu.pipeline_mode<synchronous>, transform_indices = @transform_9, window_bounds = array<i64: 4, 128, 128>}, {transform_indices = @transform_10, window_bounds = array<i64: 1, 1>}, {transform_indices = @transform_11, window_bounds = array<i64: 4, 1>}, {transform_indices = @transform_12, window_bounds = array<i64: 4, 1>}, {transform_indices = @transform_13, window_bounds = array<i64: 4, 1>}]} {
    %get3A = arith.constant 0 : index
    %get3A_0 = arith.constant 0 : index
    %get3A_1 = vector.load %arg2[%get3A, %get3A_0] : memref<2000x128xf32, #tpu.memory_space<vmem>>, vector<2000x128xf32>
    %get3A_2 = arith.index_cast %arg0 : i32 to index
    %get3A_3 = arith.constant 0 : index
    %get3A_4 = arith.constant 0 : index
    %get3A_5 = vector.load %arg3[%get3A_2, %get3A_3, %get3A_4] : memref<4x128x128xf32, #tpu.memory_space<vmem>>, vector<1x128x128xf32>
    %get3A_6 = vector.shape_cast %get3A_5 : vector<1x128x128xf32> to vector<128x128xf32>
    %convert_element_type3A = arith.truncf %get3A_1 : vector<2000x128xf32> to vector<2000x128xbf16>
    %convert_element_type3A_7 = arith.extf %convert_element_type3A : vector<2000x128xbf16> to vector<2000x128xf32>
    %sub3A = arith.subf %get3A_1, %convert_element_type3A_7 : vector<2000x128xf32>
    %convert_element_type3A_8 = arith.truncf %sub3A : vector<2000x128xf32> to vector<2000x128xbf16>
    %convert_element_type3A_9 = arith.truncf %get3A_6 : vector<128x128xf32> to vector<128x128xbf16>
    %convert_element_type3A_10 = arith.extf %convert_element_type3A_9 : vector<128x128xbf16> to vector<128x128xf32>
    %sub3A_11 = arith.subf %get3A_6, %convert_element_type3A_10 : vector<128x128xf32>
    %convert_element_type3A_12 = arith.truncf %sub3A_11 : vector<128x128xf32> to vector<128x128xbf16>
    %dot_general3A = arith.constant dense<0.000000e+00> : vector<2000x128xf32>
    %dot_general3A_13 = tpu.matmul %convert_element_type3A, %convert_element_type3A_9, %dot_general3A {dimension_numbers = #tpu.dot_dimension_numbers<[1], [0], [0], [1], [0, 0, 1, 1], [], []>, transpose_lhs_hint = false} : vector<2000x128xbf16>, vector<128x128xbf16>, vector<2000x128xf32> -> vector<2000x128xf32>
    %dot_general3A_14 = arith.constant dense<0.000000e+00> : vector<2000x128xf32>
    %dot_general3A_15 = tpu.matmul %convert_element_type3A, %convert_element_type3A_12, %dot_general3A_14 {dimension_numbers = #tpu.dot_dimension_numbers<[1], [0], [0], [1], [0, 0, 1, 1], [], []>, transpose_lhs_hint = false} : vector<2000x128xbf16>, vector<128x128xbf16>, vector<2000x128xf32> -> vector<2000x128xf32>
    %dot_general3A_16 = arith.constant dense<0.000000e+00> : vector<2000x128xf32>
    %dot_general3A_17 = tpu.matmul %convert_element_type3A_8, %convert_element_type3A_9, %dot_general3A_16 {dimension_numbers = #tpu.dot_dimension_numbers<[1], [0], [0], [1], [0, 0, 1, 1], [], []>, transpose_lhs_hint = false} : vector<2000x128xbf16>, vector<128x128xbf16>, vector<2000x128xf32> -> vector<2000x128xf32>
    %add3A = arith.addf %dot_general3A_15, %dot_general3A_17 : vector<2000x128xf32>
    %add3A_18 = arith.addf %dot_general3A_13, %add3A : vector<2000x128xf32>
    %get3A_19 = arith.index_cast %arg0 : i32 to index
    %get3A_20 = arith.constant 0 : index
    %get3A_21 = vector.load %arg4[%get3A_19, %get3A_20] : memref<4x128xf32, #tpu.memory_space<vmem>>, vector<1x128xf32>
    %get3A_22 = vector.shape_cast %get3A_21 : vector<1x128xf32> to vector<128xf32>
    %broadcast_in_dim3A = vector.shape_cast %get3A_22 : vector<128xf32> to vector<1x128xf32>
    %add3A_23 = vector.broadcast %broadcast_in_dim3A : vector<1x128xf32> to vector<2000x128xf32>
    %add3A_24 = arith.addf %add3A_18, %add3A_23 : vector<2000x128xf32>
    %max3A = arith.constant 0.000000e+00 : f32
    %max3A_25 = vector.broadcast %max3A : f32 to vector<2000x128xf32>
    %max3A_26 = arith.maximumf %add3A_24, %max3A_25 : vector<2000x128xf32>
    %get3A_27 = arith.index_cast %arg0 : i32 to index
    %get3A_28 = arith.constant 0 : index
    %get3A_29 = arith.constant 0 : index
    %get3A_30 = vector.load %arg5[%get3A_27, %get3A_28, %get3A_29] : memref<4x128x128xf32, #tpu.memory_space<vmem>>, vector<1x128x128xf32>
    %get3A_31 = vector.shape_cast %get3A_30 : vector<1x128x128xf32> to vector<128x128xf32>
    %convert_element_type3A_32 = arith.truncf %max3A_26 : vector<2000x128xf32> to vector<2000x128xbf16>
    %convert_element_type3A_33 = arith.extf %convert_element_type3A_32 : vector<2000x128xbf16> to vector<2000x128xf32>
    %sub3A_34 = arith.subf %max3A_26, %convert_element_type3A_33 : vector<2000x128xf32>
    %convert_element_type3A_35 = arith.truncf %sub3A_34 : vector<2000x128xf32> to vector<2000x128xbf16>
    %convert_element_type3A_36 = arith.truncf %get3A_31 : vector<128x128xf32> to vector<128x128xbf16>
    %convert_element_type3A_37 = arith.extf %convert_element_type3A_36 : vector<128x128xbf16> to vector<128x128xf32>
    %sub3A_38 = arith.subf %get3A_31, %convert_element_type3A_37 : vector<128x128xf32>
    %convert_element_type3A_39 = arith.truncf %sub3A_38 : vector<128x128xf32> to vector<128x128xbf16>
    %dot_general3A_40 = arith.constant dense<0.000000e+00> : vector<2000x128xf32>
    %dot_general3A_41 = tpu.matmul %convert_element_type3A_32, %convert_element_type3A_36, %dot_general3A_40 {dimension_numbers = #tpu.dot_dimension_numbers<[1], [0], [0], [1], [0, 0, 1, 1], [], []>, transpose_lhs_hint = false} : vector<2000x128xbf16>, vector<128x128xbf16>, vector<2000x128xf32> -> vector<2000x128xf32>
    %dot_general3A_42 = arith.constant dense<0.000000e+00> : vector<2000x128xf32>
    %dot_general3A_43 = tpu.matmul %convert_element_type3A_32, %convert_element_type3A_39, %dot_general3A_42 {dimension_numbers = #tpu.dot_dimension_numbers<[1], [0], [0], [1], [0, 0, 1, 1], [], []>, transpose_lhs_hint = false} : vector<2000x128xbf16>, vector<128x128xbf16>, vector<2000x128xf32> -> vector<2000x128xf32>
    %dot_general3A_44 = arith.constant dense<0.000000e+00> : vector<2000x128xf32>
    %dot_general3A_45 = tpu.matmul %convert_element_type3A_35, %convert_element_type3A_36, %dot_general3A_44 {dimension_numbers = #tpu.dot_dimension_numbers<[1], [0], [0], [1], [0, 0, 1, 1], [], []>, transpose_lhs_hint = false} : vector<2000x128xbf16>, vector<128x128xbf16>, vector<2000x128xf32> -> vector<2000x128xf32>
    %add3A_46 = arith.addf %dot_general3A_43, %dot_general3A_45 : vector<2000x128xf32>
    %add3A_47 = arith.addf %dot_general3A_41, %add3A_46 : vector<2000x128xf32>
    %get3A_48 = arith.index_cast %arg0 : i32 to index
    %get3A_49 = arith.constant 0 : index
    %get3A_50 = vector.load %arg6[%get3A_48, %get3A_49] : memref<4x128xf32, #tpu.memory_space<vmem>>, vector<1x128xf32>
    %get3A_51 = vector.shape_cast %get3A_50 : vector<1x128xf32> to vector<128xf32>
    %broadcast_in_dim3A_52 = vector.shape_cast %get3A_51 : vector<128xf32> to vector<1x128xf32>
    %add3A_53 = vector.broadcast %broadcast_in_dim3A_52 : vector<1x128xf32> to vector<2000x128xf32>
    %add3A_54 = arith.addf %add3A_47, %add3A_53 : vector<2000x128xf32>
    %mul3A = arith.mulf %add3A_54, %add3A_54 : vector<2000x128xf32>
    %reduce_sum3A = vector.shape_cast %mul3A : vector<2000x128xf32> to vector<1x2000x128xf32>
    %reduce_sum3A_55 = arith.constant dense<0.000000e+00> : vector<1xf32>
    %reduce_sum3A_56 = vector.multi_reduction <add>, %reduce_sum3A, %reduce_sum3A_55 [1, 2] : vector<1x2000x128xf32> to vector<1xf32>
    %reduce_sum3A_57 = vector.shape_cast %reduce_sum3A_56 : vector<1xf32> to vector<1x1x1xf32>
    %reduce_sum3A_58 = vector.extract %reduce_sum3A_57[0, 0, 0] : f32 from vector<1x1x1xf32>
    %get3A_59 = arith.index_cast %arg0 : i32 to index
    %get3A_60 = arith.constant 0 : index
    %get3A_61 = arith.constant 0 : index
    %get3A_62 = vector.load %arg7[%get3A_59, %get3A_60, %get3A_61] : memref<4x128x64xf32, #tpu.memory_space<vmem>>, vector<1x128x64xf32>
    %get3A_63 = vector.shape_cast %get3A_62 : vector<1x128x64xf32> to vector<128x64xf32>
    %convert_element_type3A_64 = arith.truncf %add3A_54 : vector<2000x128xf32> to vector<2000x128xbf16>
    %convert_element_type3A_65 = arith.truncf %get3A_63 : vector<128x64xf32> to vector<128x64xbf16>
    %dot_general3A_66 = arith.constant dense<0.000000e+00> : vector<2000x64xf32>
    %dot_general3A_67 = tpu.matmul %convert_element_type3A_64, %convert_element_type3A_65, %dot_general3A_66 {dimension_numbers = #tpu.dot_dimension_numbers<[1], [0], [0], [1], [0, 0, 1, 1], [], []>, transpose_lhs_hint = false} : vector<2000x128xbf16>, vector<128x64xbf16>, vector<2000x64xf32> -> vector<2000x64xf32>
    %get3A_68 = arith.index_cast %arg0 : i32 to index
    %get3A_69 = arith.constant 0 : index
    %get3A_70 = vector.load %arg8[%get3A_68, %get3A_69] : memref<4x64xf32, #tpu.memory_space<vmem>>, vector<1x64xf32>
    %get3A_71 = vector.shape_cast %get3A_70 : vector<1x64xf32> to vector<64xf32>
    %broadcast_in_dim3A_72 = vector.shape_cast %get3A_71 : vector<64xf32> to vector<1x64xf32>
    %add3A_73 = vector.broadcast %broadcast_in_dim3A_72 : vector<1x64xf32> to vector<2000x64xf32>
    %add3A_74 = arith.addf %dot_general3A_67, %add3A_73 : vector<2000x64xf32>
    %max3A_75 = arith.constant 0.000000e+00 : f32
    %max3A_76 = vector.broadcast %max3A_75 : f32 to vector<2000x64xf32>
    %max3A_77 = arith.maximumf %add3A_74, %max3A_76 : vector<2000x64xf32>
    %get3A_78 = arith.index_cast %arg0 : i32 to index
    %get3A_79 = arith.constant 0 : index
    %get3A_80 = arith.constant 0 : index
    %get3A_81 = vector.load %arg9[%get3A_78, %get3A_79, %get3A_80] : memref<4x64x1xf32, #tpu.memory_space<vmem>>, vector<1x64x1xf32>
    %get3A_82 = vector.shape_cast %get3A_81 : vector<1x64x1xf32> to vector<64x1xf32>
    %convert_element_type3A_83 = arith.truncf %max3A_77 : vector<2000x64xf32> to vector<2000x64xbf16>
    %convert_element_type3A_84 = arith.truncf %get3A_82 : vector<64x1xf32> to vector<64x1xbf16>
    %dot_general3A_85 = arith.constant dense<0.000000e+00> : vector<2000x1xf32>
    %dot_general3A_86 = tpu.matmul %convert_element_type3A_83, %convert_element_type3A_84, %dot_general3A_85 {dimension_numbers = #tpu.dot_dimension_numbers<[1], [0], [0], [1], [0, 0, 1, 1], [], []>, transpose_lhs_hint = false} : vector<2000x64xbf16>, vector<64x1xbf16>, vector<2000x1xf32> -> vector<2000x1xf32>
    %get3A_87 = arith.index_cast %arg0 : i32 to index
    %get3A_88 = arith.constant 0 : index
    %get3A_89 = vector.load %arg10[%get3A_87, %get3A_88] : memref<4x1xf32, #tpu.memory_space<vmem>>, vector<1x1xf32>
    %get3A_90 = vector.shape_cast %get3A_89 : vector<1x1xf32> to vector<1xf32>
    %broadcast_in_dim3A_91 = vector.shape_cast %get3A_90 : vector<1xf32> to vector<1x1xf32>
    %add3A_92 = vector.broadcast %broadcast_in_dim3A_91 : vector<1x1xf32> to vector<2000x1xf32>
    %add3A_93 = arith.addf %dot_general3A_86, %add3A_92 : vector<2000x1xf32>
    %logistic3A = arith.negf %add3A_93 : vector<2000x1xf32>
    %logistic3A_94 = math.exp %logistic3A : vector<2000x1xf32>
    %logistic3A_95 = arith.constant 1.000000e+00 : f32
    %logistic3A_96 = vector.broadcast %logistic3A_95 : f32 to vector<2000x1xf32>
    %logistic3A_97 = arith.addf %logistic3A_96, %logistic3A_94 : vector<2000x1xf32>
    %logistic3A_98 = arith.divf %logistic3A_96, %logistic3A_97 : vector<2000x1xf32>
    %reduce_sum3A_99 = vector.shape_cast %logistic3A_98 : vector<2000x1xf32> to vector<1x2000x1xf32>
    %reduce_sum3A_100 = arith.constant dense<0.000000e+00> : vector<1xf32>
    %reduce_sum3A_101 = vector.multi_reduction <add>, %reduce_sum3A_99, %reduce_sum3A_100 [1, 2] : vector<1x2000x1xf32> to vector<1xf32>
    %reduce_sum3A_102 = vector.shape_cast %reduce_sum3A_101 : vector<1xf32> to vector<1x1x1xf32>
    %reduce_sum3A_103 = vector.extract %reduce_sum3A_102[0, 0, 0] : f32 from vector<1x1x1xf32>
    %eq3A = arith.constant 0 : i32
    %eq3A_104 = arith.cmpi eq, %arg1, %eq3A : i32
    %convert_element_type3A_105 = arith.extui %eq3A_104 : i1 to i32
    %cond3A = arith.constant 0 : i32
    %cond3A_106 = arith.cmpi ne, %convert_element_type3A_105, %cond3A : i32
    scf.if %cond3A_106 {
      %get3A_111 = arith.index_cast %arg0 : i32 to index
      %get3A_112 = arith.constant 0 : index
      %get3A_113 = arith.constant 0 : index
      %get3A_114 = vector.load %arg11[%get3A_111, %get3A_112, %get3A_113] : memref<4x128x128xf32, #tpu.memory_space<vmem>>, vector<1x128x128xf32>
      %get3A_115 = vector.shape_cast %get3A_114 : vector<1x128x128xf32> to vector<128x128xf32>
      %get3A_116 = arith.constant 0 : index
      %get3A_117 = arith.constant 0 : index
      %get3A_118 = memref.load %arg12[%get3A_116, %get3A_117] : memref<1x1xf32, #tpu.memory_space<smem>>
      %add3A_119 = arith.addf %reduce_sum3A_58, %get3A_118 : f32
      %swap3A = arith.index_cast %arg0 : i32 to index
      %swap3A_120 = arith.constant 0 : index
      %swap3A_121 = memref.load %arg13[%swap3A, %swap3A_120] : memref<4x1xf32, #tpu.memory_space<smem>>
      memref.store %add3A_119, %arg13[%swap3A, %swap3A_120] : memref<4x1xf32, #tpu.memory_space<smem>>
      %swap3A_122 = arith.index_cast %arg0 : i32 to index
      %swap3A_123 = arith.constant 0 : index
      %swap3A_124 = memref.load %arg14[%swap3A_122, %swap3A_123] : memref<4x1xf32, #tpu.memory_space<smem>>
      memref.store %reduce_sum3A_103, %arg14[%swap3A_122, %swap3A_123] : memref<4x1xf32, #tpu.memory_space<smem>>
      %mul3A_125 = arith.mulf %get3A_115, %get3A_115 : vector<128x128xf32>
      %reduce_sum3A_126 = vector.shape_cast %mul3A_125 : vector<128x128xf32> to vector<1x128x128xf32>
      %reduce_sum3A_127 = arith.constant dense<0.000000e+00> : vector<1xf32>
      %reduce_sum3A_128 = vector.multi_reduction <add>, %reduce_sum3A_126, %reduce_sum3A_127 [1, 2] : vector<1x128x128xf32> to vector<1xf32>
      %reduce_sum3A_129 = vector.shape_cast %reduce_sum3A_128 : vector<1xf32> to vector<1x1x1xf32>
      %reduce_sum3A_130 = vector.extract %reduce_sum3A_129[0, 0, 0] : f32 from vector<1x1x1xf32>
      %swap3A_131 = arith.index_cast %arg0 : i32 to index
      %swap3A_132 = arith.constant 0 : index
      %swap3A_133 = memref.load %arg15[%swap3A_131, %swap3A_132] : memref<4x1xf32, #tpu.memory_space<smem>>
      memref.store %reduce_sum3A_130, %arg15[%swap3A_131, %swap3A_132] : memref<4x1xf32, #tpu.memory_space<smem>>
    } else {
    }
    %ne3A = arith.constant 0 : i32
    %ne3A_107 = arith.cmpi ne, %arg1, %ne3A : i32
    %convert_element_type3A_108 = arith.extui %ne3A_107 : i1 to i32
    %cond3A_109 = arith.constant 0 : i32
    %cond3A_110 = arith.cmpi ne, %convert_element_type3A_108, %cond3A_109 : i32
    scf.if %cond3A_110 {
      %get3A_111 = arith.index_cast %arg0 : i32 to index
      %get3A_112 = arith.constant 0 : index
      %get3A_113 = memref.load %arg13[%get3A_111, %get3A_112] : memref<4x1xf32, #tpu.memory_space<smem>>
      %add3A_114 = arith.addf %get3A_113, %reduce_sum3A_58 : f32
      %swap3A = arith.index_cast %arg0 : i32 to index
      %swap3A_115 = arith.constant 0 : index
      %swap3A_116 = memref.load %arg13[%swap3A, %swap3A_115] : memref<4x1xf32, #tpu.memory_space<smem>>
      memref.store %add3A_114, %arg13[%swap3A, %swap3A_115] : memref<4x1xf32, #tpu.memory_space<smem>>
      %get3A_117 = arith.index_cast %arg0 : i32 to index
      %get3A_118 = arith.constant 0 : index
      %get3A_119 = memref.load %arg14[%get3A_117, %get3A_118] : memref<4x1xf32, #tpu.memory_space<smem>>
      %add3A_120 = arith.addf %get3A_119, %reduce_sum3A_103 : f32
      %swap3A_121 = arith.index_cast %arg0 : i32 to index
      %swap3A_122 = arith.constant 0 : index
      %swap3A_123 = memref.load %arg14[%swap3A_121, %swap3A_122] : memref<4x1xf32, #tpu.memory_space<smem>>
      memref.store %add3A_120, %arg14[%swap3A_121, %swap3A_122] : memref<4x1xf32, #tpu.memory_space<smem>>
    } else {
    }
    return
  }
  func.func @transform_0(%arg0: i32, %arg1: i32) -> (i32, i32) {
    %c0_i32 = arith.constant 0 : i32
    %c0_i32_0 = arith.constant 0 : i32
    return %arg1, %c0_i32 : i32, i32
  }
  func.func @transform_1(%arg0: i32, %arg1: i32) -> (i32, i32, i32) {
    %c0_i32 = arith.constant 0 : i32
    %c0_i32_0 = arith.constant 0 : i32
    %c0_i32_1 = arith.constant 0 : i32
    %c0_i32_2 = arith.constant 0 : i32
    return %c0_i32, %c0_i32_0, %c0_i32_1 : i32, i32, i32
  }
  func.func @transform_2(%arg0: i32, %arg1: i32) -> (i32, i32) {
    %c0_i32 = arith.constant 0 : i32
    %c0_i32_0 = arith.constant 0 : i32
    %c0_i32_1 = arith.constant 0 : i32
    return %c0_i32, %c0_i32_0 : i32, i32
  }
  func.func @transform_3(%arg0: i32, %arg1: i32) -> (i32, i32, i32) {
    %c0_i32 = arith.constant 0 : i32
    %c0_i32_0 = arith.constant 0 : i32
    %c0_i32_1 = arith.constant 0 : i32
    %c0_i32_2 = arith.constant 0 : i32
    return %c0_i32, %c0_i32_0, %c0_i32_1 : i32, i32, i32
  }
  func.func @transform_4(%arg0: i32, %arg1: i32) -> (i32, i32) {
    %c0_i32 = arith.constant 0 : i32
    %c0_i32_0 = arith.constant 0 : i32
    %c0_i32_1 = arith.constant 0 : i32
    return %c0_i32, %c0_i32_0 : i32, i32
  }
  func.func @transform_5(%arg0: i32, %arg1: i32) -> (i32, i32, i32) {
    %c0_i32 = arith.constant 0 : i32
    %c0_i32_0 = arith.constant 0 : i32
    %c0_i32_1 = arith.constant 0 : i32
    %c0_i32_2 = arith.constant 0 : i32
    return %c0_i32, %c0_i32_0, %c0_i32_1 : i32, i32, i32
  }
  func.func @transform_6(%arg0: i32, %arg1: i32) -> (i32, i32) {
    %c0_i32 = arith.constant 0 : i32
    %c0_i32_0 = arith.constant 0 : i32
    %c0_i32_1 = arith.constant 0 : i32
    return %c0_i32, %c0_i32_0 : i32, i32
  }
  func.func @transform_7(%arg0: i32, %arg1: i32) -> (i32, i32, i32) {
    %c0_i32 = arith.constant 0 : i32
    %c0_i32_0 = arith.constant 0 : i32
    %c0_i32_1 = arith.constant 0 : i32
    %c0_i32_2 = arith.constant 0 : i32
    return %c0_i32, %c0_i32_0, %c0_i32_1 : i32, i32, i32
  }
  func.func @transform_8(%arg0: i32, %arg1: i32) -> (i32, i32) {
    %c0_i32 = arith.constant 0 : i32
    %c0_i32_0 = arith.constant 0 : i32
    %c0_i32_1 = arith.constant 0 : i32
    return %c0_i32, %c0_i32_0 : i32, i32
  }
  func.func @transform_9(%arg0: i32, %arg1: i32) -> (i32, i32, i32) {
    %c0_i32 = arith.constant 0 : i32
    %c0_i32_0 = arith.constant 0 : i32
    %c0_i32_1 = arith.constant 0 : i32
    %c0_i32_2 = arith.constant 0 : i32
    return %c0_i32, %c0_i32_0, %c0_i32_1 : i32, i32, i32
  }
  func.func @transform_10(%arg0: i32, %arg1: i32) -> (i32, i32) {
    %c0_i32 = arith.constant 0 : i32
    %c0_i32_0 = arith.constant 0 : i32
    %c0_i32_1 = arith.constant 0 : i32
    return %c0_i32, %c0_i32_0 : i32, i32
  }
  func.func @transform_11(%arg0: i32, %arg1: i32) -> (i32, i32) {
    %c0_i32 = arith.constant 0 : i32
    %c0_i32_0 = arith.constant 0 : i32
    %c0_i32_1 = arith.constant 0 : i32
    return %c0_i32, %c0_i32_0 : i32, i32
  }
  func.func @transform_12(%arg0: i32, %arg1: i32) -> (i32, i32) {
    %c0_i32 = arith.constant 0 : i32
    %c0_i32_0 = arith.constant 0 : i32
    %c0_i32_1 = arith.constant 0 : i32
    return %c0_i32, %c0_i32_0 : i32, i32
  }
  func.func @transform_13(%arg0: i32, %arg1: i32) -> (i32, i32) {
    %c0_i32 = arith.constant 0 : i32
    %c0_i32_0 = arith.constant 0 : i32
    %c0_i32_1 = arith.constant 0 : i32
    return %c0_i32, %c0_i32_0 : i32, i32
  }
}

module attributes {stable_mosaic.version = 14 : i64} {
  func.func @_combine_body(%arg0: memref<4x8x512xf32, #tpu.memory_space<vmem>>, %arg1: memref<4x2x512x128xf32, #tpu.memory_space<vmem>>, %arg2: memref<4x1xf32, #tpu.memory_space<smem>>, %arg3: memref<4x1xf32, #tpu.memory_space<smem>>, %arg4: memref<4x1xf32, #tpu.memory_space<smem>>, %arg5: memref<1x1xf32, #tpu.memory_space<smem>>, %arg6: memref<4x1xf32, #tpu.memory_space<smem>>, %arg7: memref<4x512xf32, #tpu.memory_space<vmem>>) attributes {dimension_semantics = [], scalar_prefetch = 0 : i64, scratch_operands = 0 : i64, tpu.core_type = #tpu.core_type<tc>} {
    %get3A = arith.constant 0 : index
    %get3A_0 = arith.constant 0 : index
    %get3A_1 = memref.load %arg5[%get3A, %get3A_0] : memref<1x1xf32, #tpu.memory_space<smem>>
    %get3A_2 = arith.constant 0 : index
    %get3A_3 = arith.constant 0 : index
    %get3A_4 = memref.load %arg2[%get3A_2, %get3A_3] : memref<4x1xf32, #tpu.memory_space<smem>>
    %sqrt3A = math.sqrt %get3A_4 : f32
    %get3A_5 = arith.constant 0 : index
    %get3A_6 = arith.constant 0 : index
    %get3A_7 = memref.load %arg4[%get3A_5, %get3A_6] : memref<4x1xf32, #tpu.memory_space<smem>>
    %sqrt3A_8 = math.sqrt %get3A_7 : f32
    %get3A_9 = arith.constant 0 : index
    %get3A_10 = arith.constant 0 : index
    %get3A_11 = memref.load %arg3[%get3A_9, %get3A_10] : memref<4x1xf32, #tpu.memory_space<smem>>
    %div3A = arith.constant 1.000000e+04 : f32
    %div3A_12 = arith.divf %get3A_11, %div3A : f32
    %mul3A = arith.constant 6.000000e-01 : f32
    %mul3A_13 = arith.mulf %mul3A, %sqrt3A_8 : f32
    %mul3A_14 = arith.mulf %mul3A_13, %sqrt3A : f32
    %mul3A_15 = arith.constant 4.000000e-01 : f32
    %mul3A_16 = arith.mulf %mul3A_15, %div3A_12 : f32
    %add3A = arith.addf %mul3A_14, %mul3A_16 : f32
    %get3A_17 = arith.constant 1 : index
    %get3A_18 = arith.constant 0 : index
    %get3A_19 = memref.load %arg2[%get3A_17, %get3A_18] : memref<4x1xf32, #tpu.memory_space<smem>>
    %sqrt3A_20 = math.sqrt %get3A_19 : f32
    %get3A_21 = arith.constant 1 : index
    %get3A_22 = arith.constant 0 : index
    %get3A_23 = memref.load %arg4[%get3A_21, %get3A_22] : memref<4x1xf32, #tpu.memory_space<smem>>
    %sqrt3A_24 = math.sqrt %get3A_23 : f32
    %get3A_25 = arith.constant 1 : index
    %get3A_26 = arith.constant 0 : index
    %get3A_27 = memref.load %arg3[%get3A_25, %get3A_26] : memref<4x1xf32, #tpu.memory_space<smem>>
    %div3A_28 = arith.constant 1.000000e+04 : f32
    %div3A_29 = arith.divf %get3A_27, %div3A_28 : f32
    %mul3A_30 = arith.constant 6.000000e-01 : f32
    %mul3A_31 = arith.mulf %mul3A_30, %sqrt3A_24 : f32
    %mul3A_32 = arith.mulf %mul3A_31, %sqrt3A_20 : f32
    %mul3A_33 = arith.constant 4.000000e-01 : f32
    %mul3A_34 = arith.mulf %mul3A_33, %div3A_29 : f32
    %add3A_35 = arith.addf %mul3A_32, %mul3A_34 : f32
    %get3A_36 = arith.constant 2 : index
    %get3A_37 = arith.constant 0 : index
    %get3A_38 = memref.load %arg2[%get3A_36, %get3A_37] : memref<4x1xf32, #tpu.memory_space<smem>>
    %sqrt3A_39 = math.sqrt %get3A_38 : f32
    %get3A_40 = arith.constant 2 : index
    %get3A_41 = arith.constant 0 : index
    %get3A_42 = memref.load %arg4[%get3A_40, %get3A_41] : memref<4x1xf32, #tpu.memory_space<smem>>
    %sqrt3A_43 = math.sqrt %get3A_42 : f32
    %get3A_44 = arith.constant 2 : index
    %get3A_45 = arith.constant 0 : index
    %get3A_46 = memref.load %arg3[%get3A_44, %get3A_45] : memref<4x1xf32, #tpu.memory_space<smem>>
    %div3A_47 = arith.constant 1.000000e+04 : f32
    %div3A_48 = arith.divf %get3A_46, %div3A_47 : f32
    %mul3A_49 = arith.constant 6.000000e-01 : f32
    %mul3A_50 = arith.mulf %mul3A_49, %sqrt3A_43 : f32
    %mul3A_51 = arith.mulf %mul3A_50, %sqrt3A_39 : f32
    %mul3A_52 = arith.constant 4.000000e-01 : f32
    %mul3A_53 = arith.mulf %mul3A_52, %div3A_48 : f32
    %add3A_54 = arith.addf %mul3A_51, %mul3A_53 : f32
    %get3A_55 = arith.constant 3 : index
    %get3A_56 = arith.constant 0 : index
    %get3A_57 = memref.load %arg2[%get3A_55, %get3A_56] : memref<4x1xf32, #tpu.memory_space<smem>>
    %sqrt3A_58 = math.sqrt %get3A_57 : f32
    %get3A_59 = arith.constant 3 : index
    %get3A_60 = arith.constant 0 : index
    %get3A_61 = memref.load %arg4[%get3A_59, %get3A_60] : memref<4x1xf32, #tpu.memory_space<smem>>
    %sqrt3A_62 = math.sqrt %get3A_61 : f32
    %get3A_63 = arith.constant 3 : index
    %get3A_64 = arith.constant 0 : index
    %get3A_65 = memref.load %arg3[%get3A_63, %get3A_64] : memref<4x1xf32, #tpu.memory_space<smem>>
    %div3A_66 = arith.constant 1.000000e+04 : f32
    %div3A_67 = arith.divf %get3A_65, %div3A_66 : f32
    %mul3A_68 = arith.constant 6.000000e-01 : f32
    %mul3A_69 = arith.mulf %mul3A_68, %sqrt3A_62 : f32
    %mul3A_70 = arith.mulf %mul3A_69, %sqrt3A_58 : f32
    %mul3A_71 = arith.constant 4.000000e-01 : f32
    %mul3A_72 = arith.mulf %mul3A_71, %div3A_67 : f32
    %add3A_73 = arith.addf %mul3A_70, %mul3A_72 : f32
    %max3A = arith.maximumf %add3A, %add3A_35 : f32
    %max3A_74 = arith.maximumf %add3A_54, %add3A_73 : f32
    %max3A_75 = arith.maximumf %max3A, %max3A_74 : f32
    %sub3A = arith.subf %add3A, %max3A_75 : f32
    %broadcast_in_dim3A = vector.broadcast %sub3A : f32 to vector<8x128xf32>
    %exp3A = math.exp %broadcast_in_dim3A : vector<8x128xf32>
    %reduce_max3A = vector.shape_cast %exp3A : vector<8x128xf32> to vector<1x8x128xf32>
    %reduce_max3A_76 = arith.constant dense<0xFF800000> : vector<1xf32>
    %reduce_max3A_77 = vector.multi_reduction <maximumf>, %reduce_max3A, %reduce_max3A_76 [1, 2] : vector<1x8x128xf32> to vector<1xf32>
    %reduce_max3A_78 = vector.shape_cast %reduce_max3A_77 : vector<1xf32> to vector<1x1x1xf32>
    %reduce_max3A_79 = vector.extract %reduce_max3A_78[0, 0, 0] : f32 from vector<1x1x1xf32>
    %sub3A_80 = arith.subf %add3A_35, %max3A_75 : f32
    %broadcast_in_dim3A_81 = vector.broadcast %sub3A_80 : f32 to vector<8x128xf32>
    %exp3A_82 = math.exp %broadcast_in_dim3A_81 : vector<8x128xf32>
    %reduce_max3A_83 = vector.shape_cast %exp3A_82 : vector<8x128xf32> to vector<1x8x128xf32>
    %reduce_max3A_84 = arith.constant dense<0xFF800000> : vector<1xf32>
    %reduce_max3A_85 = vector.multi_reduction <maximumf>, %reduce_max3A_83, %reduce_max3A_84 [1, 2] : vector<1x8x128xf32> to vector<1xf32>
    %reduce_max3A_86 = vector.shape_cast %reduce_max3A_85 : vector<1xf32> to vector<1x1x1xf32>
    %reduce_max3A_87 = vector.extract %reduce_max3A_86[0, 0, 0] : f32 from vector<1x1x1xf32>
    %sub3A_88 = arith.subf %add3A_54, %max3A_75 : f32
    %broadcast_in_dim3A_89 = vector.broadcast %sub3A_88 : f32 to vector<8x128xf32>
    %exp3A_90 = math.exp %broadcast_in_dim3A_89 : vector<8x128xf32>
    %reduce_max3A_91 = vector.shape_cast %exp3A_90 : vector<8x128xf32> to vector<1x8x128xf32>
    %reduce_max3A_92 = arith.constant dense<0xFF800000> : vector<1xf32>
    %reduce_max3A_93 = vector.multi_reduction <maximumf>, %reduce_max3A_91, %reduce_max3A_92 [1, 2] : vector<1x8x128xf32> to vector<1xf32>
    %reduce_max3A_94 = vector.shape_cast %reduce_max3A_93 : vector<1xf32> to vector<1x1x1xf32>
    %reduce_max3A_95 = vector.extract %reduce_max3A_94[0, 0, 0] : f32 from vector<1x1x1xf32>
    %sub3A_96 = arith.subf %add3A_73, %max3A_75 : f32
    %broadcast_in_dim3A_97 = vector.broadcast %sub3A_96 : f32 to vector<8x128xf32>
    %exp3A_98 = math.exp %broadcast_in_dim3A_97 : vector<8x128xf32>
    %reduce_max3A_99 = vector.shape_cast %exp3A_98 : vector<8x128xf32> to vector<1x8x128xf32>
    %reduce_max3A_100 = arith.constant dense<0xFF800000> : vector<1xf32>
    %reduce_max3A_101 = vector.multi_reduction <maximumf>, %reduce_max3A_99, %reduce_max3A_100 [1, 2] : vector<1x8x128xf32> to vector<1xf32>
    %reduce_max3A_102 = vector.shape_cast %reduce_max3A_101 : vector<1xf32> to vector<1x1x1xf32>
    %reduce_max3A_103 = vector.extract %reduce_max3A_102[0, 0, 0] : f32 from vector<1x1x1xf32>
    %add3A_104 = arith.addf %reduce_max3A_79, %reduce_max3A_87 : f32
    %add3A_105 = arith.addf %add3A_104, %reduce_max3A_95 : f32
    %add3A_106 = arith.addf %add3A_105, %reduce_max3A_103 : f32
    %div3A_107 = arith.divf %reduce_max3A_79, %add3A_106 : f32
    %div3A_108 = arith.divf %reduce_max3A_87, %add3A_106 : f32
    %div3A_109 = arith.divf %reduce_max3A_95, %add3A_106 : f32
    %div3A_110 = arith.divf %reduce_max3A_103, %add3A_106 : f32
    %sub3A_111 = arith.subf %div3A_107, %get3A_1 : f32
    %div3A_112 = arith.constant 0.00999999977 : f32
    %div3A_113 = arith.divf %sub3A_111, %div3A_112 : f32
    %add3A_114 = arith.constant 5.000000e-01 : f32
    %add3A_115 = arith.addf %div3A_113, %add3A_114 : f32
    %jit3A = arith.constant 0.000000e+00 : f32
    %jit3A_116 = arith.constant 1.000000e+00 : f32
    %max3A_117 = arith.maximumf %jit3A, %add3A_115 : f32
    %min3A = arith.minimumf %jit3A_116, %max3A_117 : f32
    %sub3A_118 = arith.subf %div3A_108, %get3A_1 : f32
    %div3A_119 = arith.constant 0.00999999977 : f32
    %div3A_120 = arith.divf %sub3A_118, %div3A_119 : f32
    %add3A_121 = arith.constant 5.000000e-01 : f32
    %add3A_122 = arith.addf %div3A_120, %add3A_121 : f32
    %jit3A_123 = arith.constant 0.000000e+00 : f32
    %jit3A_124 = arith.constant 1.000000e+00 : f32
    %max3A_125 = arith.maximumf %jit3A_123, %add3A_122 : f32
    %min3A_126 = arith.minimumf %jit3A_124, %max3A_125 : f32
    %sub3A_127 = arith.subf %div3A_109, %get3A_1 : f32
    %div3A_128 = arith.constant 0.00999999977 : f32
    %div3A_129 = arith.divf %sub3A_127, %div3A_128 : f32
    %add3A_130 = arith.constant 5.000000e-01 : f32
    %add3A_131 = arith.addf %div3A_129, %add3A_130 : f32
    %jit3A_132 = arith.constant 0.000000e+00 : f32
    %jit3A_133 = arith.constant 1.000000e+00 : f32
    %max3A_134 = arith.maximumf %jit3A_132, %add3A_131 : f32
    %min3A_135 = arith.minimumf %jit3A_133, %max3A_134 : f32
    %sub3A_136 = arith.subf %div3A_110, %get3A_1 : f32
    %div3A_137 = arith.constant 0.00999999977 : f32
    %div3A_138 = arith.divf %sub3A_136, %div3A_137 : f32
    %add3A_139 = arith.constant 5.000000e-01 : f32
    %add3A_140 = arith.addf %div3A_138, %add3A_139 : f32
    %jit3A_141 = arith.constant 0.000000e+00 : f32
    %jit3A_142 = arith.constant 1.000000e+00 : f32
    %max3A_143 = arith.maximumf %jit3A_141, %add3A_140 : f32
    %min3A_144 = arith.minimumf %jit3A_142, %max3A_143 : f32
    %gt3A = arith.cmpf ogt, %min3A_126, %min3A : f32
    %select_n3A = arith.select %gt3A, %min3A_126, %min3A : f32
    %jit3A_145 = arith.constant 1 : i32
    %jit3A_146 = arith.constant 0 : i32
    %select_n3A_147 = arith.select %gt3A, %jit3A_145, %jit3A_146 : i32
    %gt3A_148 = arith.cmpf ogt, %min3A_135, %select_n3A : f32
    %select_n3A_149 = arith.select %gt3A_148, %min3A_135, %select_n3A : f32
    %jit3A_150 = arith.constant 2 : i32
    %select_n3A_151 = arith.select %gt3A_148, %jit3A_150, %select_n3A_147 : i32
    %gt3A_152 = arith.cmpf ogt, %min3A_144, %select_n3A_149 : f32
    %jit3A_153 = arith.constant 3 : i32
    %select_n3A_154 = arith.select %gt3A_152, %jit3A_153, %select_n3A_151 : i32
    %broadcast_in_dim3A_155 = arith.constant 1.000000e+00 : f32
    %broadcast_in_dim3A_156 = vector.broadcast %broadcast_in_dim3A_155 : f32 to vector<1x128xf32>
    %eq3A = arith.constant 0 : i32
    %eq3A_157 = arith.cmpi eq, %select_n3A_154, %eq3A : i32
    %convert_element_type3A = arith.extui %eq3A_157 : i1 to i32
    %convert_element_type3A_158 = arith.sitofp %convert_element_type3A : i32 to f32
    %max3A_159 = arith.maximumf %min3A, %convert_element_type3A_158 : f32
    %swap3A = arith.constant 0 : index
    %swap3A_160 = arith.constant 0 : index
    %swap3A_161 = memref.load %arg6[%swap3A, %swap3A_160] : memref<4x1xf32, #tpu.memory_space<smem>>
    memref.store %max3A_159, %arg6[%swap3A, %swap3A_160] : memref<4x1xf32, #tpu.memory_space<smem>>
    %gt3A_162 = arith.constant 5.000000e-01 : f32
    %gt3A_163 = arith.cmpf ogt, %max3A_159, %gt3A_162 : f32
    %convert_element_type3A_164 = arith.extui %gt3A_163 : i1 to i32
    %convert_element_type3A_165 = arith.sitofp %convert_element_type3A_164 : i32 to f32
    %get3A_166 = arith.constant 0 : index
    %get3A_167 = arith.constant 0 : index
    %get3A_168 = arith.constant 0 : index
    %get3A_169 = vector.load %arg0[%get3A_166, %get3A_167, %get3A_168] : memref<4x8x512xf32, #tpu.memory_space<vmem>>, vector<1x8x512xf32>
    %get3A_170 = vector.shape_cast %get3A_169 : vector<1x8x512xf32> to vector<8x512xf32>
    %slice3A = vector.extract_strided_slice %get3A_170 {offsets = [0, 0], sizes = [1, 512], strides = [1, 1]} : vector<8x512xf32> to vector<1x512xf32>
    %slice3A_171 = vector.extract_strided_slice %get3A_170 {offsets = [1, 0], sizes = [1, 512], strides = [1, 1]} : vector<8x512xf32> to vector<1x512xf32>
    %slice3A_172 = vector.extract_strided_slice %get3A_170 {offsets = [2, 0], sizes = [1, 512], strides = [1, 1]} : vector<8x512xf32> to vector<1x512xf32>
    %get3A_173 = arith.constant 0 : index
    %get3A_174 = arith.constant 0 : index
    %get3A_175 = arith.constant 0 : index
    %get3A_176 = arith.constant 0 : index
    %get3A_177 = vector.load %arg1[%get3A_173, %get3A_174, %get3A_175, %get3A_176] : memref<4x2x512x128xf32, #tpu.memory_space<vmem>>, vector<1x1x512x128xf32>
    %get3A_178 = vector.shape_cast %get3A_177 : vector<1x1x512x128xf32> to vector<512x128xf32>
    %get3A_179 = arith.constant 0 : index
    %get3A_180 = arith.constant 1 : index
    %get3A_181 = arith.constant 0 : index
    %get3A_182 = arith.constant 0 : index
    %get3A_183 = vector.load %arg1[%get3A_179, %get3A_180, %get3A_181, %get3A_182] : memref<4x2x512x128xf32, #tpu.memory_space<vmem>>, vector<1x1x512x128xf32>
    %get3A_184 = vector.shape_cast %get3A_183 : vector<1x1x512x128xf32> to vector<512x128xf32>
    %mul3A_185 = arith.mulf %get3A_178, %get3A_184 : vector<512x128xf32>
    %dot_general3A = arith.constant dense<0.000000e+00> : vector<1x512xf32>
    %dot_general3A_186 = tpu.matmul %broadcast_in_dim3A_156, %mul3A_185, %dot_general3A {dimension_numbers = #tpu.dot_dimension_numbers<[1], [1], [0], [0], [0, 0, 1, 0], [], []>, precision = #tpu.contract_precision<fp32>, transpose_lhs_hint = false} : vector<1x128xf32>, vector<512x128xf32>, vector<1x512xf32> -> vector<1x512xf32>
    %mul3A_187 = arith.mulf %get3A_178, %get3A_178 : vector<512x128xf32>
    %dot_general3A_188 = arith.constant dense<0.000000e+00> : vector<1x512xf32>
    %dot_general3A_189 = tpu.matmul %broadcast_in_dim3A_156, %mul3A_187, %dot_general3A_188 {dimension_numbers = #tpu.dot_dimension_numbers<[1], [1], [0], [0], [0, 0, 1, 0], [], []>, precision = #tpu.contract_precision<fp32>, transpose_lhs_hint = false} : vector<1x128xf32>, vector<512x128xf32>, vector<1x512xf32> -> vector<1x512xf32>
    %mul3A_190 = arith.mulf %get3A_184, %get3A_184 : vector<512x128xf32>
    %dot_general3A_191 = arith.constant dense<0.000000e+00> : vector<1x512xf32>
    %dot_general3A_192 = tpu.matmul %broadcast_in_dim3A_156, %mul3A_190, %dot_general3A_191 {dimension_numbers = #tpu.dot_dimension_numbers<[1], [1], [0], [0], [0, 0, 1, 0], [], []>, precision = #tpu.contract_precision<fp32>, transpose_lhs_hint = false} : vector<1x128xf32>, vector<512x128xf32>, vector<1x512xf32> -> vector<1x512xf32>
    %sqrt3A_193 = math.sqrt %dot_general3A_189 : vector<1x512xf32>
    %max3A_194 = arith.constant 9.99999993E-9 : f32
    %max3A_195 = vector.broadcast %max3A_194 : f32 to vector<1x512xf32>
    %max3A_196 = arith.maximumf %sqrt3A_193, %max3A_195 : vector<1x512xf32>
    %sqrt3A_197 = math.sqrt %dot_general3A_192 : vector<1x512xf32>
    %max3A_198 = arith.constant 9.99999993E-9 : f32
    %max3A_199 = vector.broadcast %max3A_198 : f32 to vector<1x512xf32>
    %max3A_200 = arith.maximumf %sqrt3A_197, %max3A_199 : vector<1x512xf32>
    %mul3A_201 = arith.mulf %max3A_196, %max3A_200 : vector<1x512xf32>
    %div3A_202 = arith.divf %dot_general3A_186, %mul3A_201 : vector<1x512xf32>
    %ge3A = arith.constant 2.000000e+00 : f32
    %ge3A_203 = vector.broadcast %ge3A : f32 to vector<1x512xf32>
    %ge3A_204 = arith.cmpf oge, %slice3A, %ge3A_203 : vector<1x512xf32>
    %mul3A_205 = arith.mulf %slice3A_171, %slice3A_172 : vector<1x512xf32>
    %mul3A_206 = arith.mulf %mul3A_205, %div3A_202 : vector<1x512xf32>
    %jit3A_207 = arith.constant 1.000000e-01 : f32
    %broadcast_in_dim3A_208 = vector.broadcast %jit3A_207 : f32 to vector<1x512xf32>
    %select_n3A_209 = arith.select %ge3A_204, %mul3A_206, %broadcast_in_dim3A_208 : vector<1x512xi1>, vector<1x512xf32>
    %mul3A_210 = vector.broadcast %convert_element_type3A_165 : f32 to vector<1x512xf32>
    %mul3A_211 = arith.mulf %select_n3A_209, %mul3A_210 : vector<1x512xf32>
    %swap3A_212 = arith.constant 0 : index
    %swap3A_213 = arith.constant 0 : index
    %swap3A_214 = vector.load %arg7[%swap3A_212, %swap3A_213] : memref<4x512xf32, #tpu.memory_space<vmem>>, vector<1x512xf32>
    tpu.vector_store %arg7[%swap3A_212, %swap3A_213], %mul3A_211 {strides = array<i32>} : memref<4x512xf32, #tpu.memory_space<vmem>>, vector<1x512xf32>,
    %eq3A_215 = arith.constant 1 : i32
    %eq3A_216 = arith.cmpi eq, %select_n3A_154, %eq3A_215 : i32
    %convert_element_type3A_217 = arith.extui %eq3A_216 : i1 to i32
    %convert_element_type3A_218 = arith.sitofp %convert_element_type3A_217 : i32 to f32
    %max3A_219 = arith.maximumf %min3A_126, %convert_element_type3A_218 : f32
    %swap3A_220 = arith.constant 1 : index
    %swap3A_221 = arith.constant 0 : index
    %swap3A_222 = memref.load %arg6[%swap3A_220, %swap3A_221] : memref<4x1xf32, #tpu.memory_space<smem>>
    memref.store %max3A_219, %arg6[%swap3A_220, %swap3A_221] : memref<4x1xf32, #tpu.memory_space<smem>>
    %gt3A_223 = arith.constant 5.000000e-01 : f32
    %gt3A_224 = arith.cmpf ogt, %max3A_219, %gt3A_223 : f32
    %convert_element_type3A_225 = arith.extui %gt3A_224 : i1 to i32
    %convert_element_type3A_226 = arith.sitofp %convert_element_type3A_225 : i32 to f32
    %get3A_227 = arith.constant 1 : index
    %get3A_228 = arith.constant 0 : index
    %get3A_229 = arith.constant 0 : index
    %get3A_230 = vector.load %arg0[%get3A_227, %get3A_228, %get3A_229] : memref<4x8x512xf32, #tpu.memory_space<vmem>>, vector<1x8x512xf32>
    %get3A_231 = vector.shape_cast %get3A_230 : vector<1x8x512xf32> to vector<8x512xf32>
    %slice3A_232 = vector.extract_strided_slice %get3A_231 {offsets = [0, 0], sizes = [1, 512], strides = [1, 1]} : vector<8x512xf32> to vector<1x512xf32>
    %slice3A_233 = vector.extract_strided_slice %get3A_231 {offsets = [1, 0], sizes = [1, 512], strides = [1, 1]} : vector<8x512xf32> to vector<1x512xf32>
    %slice3A_234 = vector.extract_strided_slice %get3A_231 {offsets = [2, 0], sizes = [1, 512], strides = [1, 1]} : vector<8x512xf32> to vector<1x512xf32>
    %get3A_235 = arith.constant 1 : index
    %get3A_236 = arith.constant 0 : index
    %get3A_237 = arith.constant 0 : index
    %get3A_238 = arith.constant 0 : index
    %get3A_239 = vector.load %arg1[%get3A_235, %get3A_236, %get3A_237, %get3A_238] : memref<4x2x512x128xf32, #tpu.memory_space<vmem>>, vector<1x1x512x128xf32>
    %get3A_240 = vector.shape_cast %get3A_239 : vector<1x1x512x128xf32> to vector<512x128xf32>
    %get3A_241 = arith.constant 1 : index
    %get3A_242 = arith.constant 1 : index
    %get3A_243 = arith.constant 0 : index
    %get3A_244 = arith.constant 0 : index
    %get3A_245 = vector.load %arg1[%get3A_241, %get3A_242, %get3A_243, %get3A_244] : memref<4x2x512x128xf32, #tpu.memory_space<vmem>>, vector<1x1x512x128xf32>
    %get3A_246 = vector.shape_cast %get3A_245 : vector<1x1x512x128xf32> to vector<512x128xf32>
    %mul3A_247 = arith.mulf %get3A_240, %get3A_246 : vector<512x128xf32>
    %dot_general3A_248 = arith.constant dense<0.000000e+00> : vector<1x512xf32>
    %dot_general3A_249 = tpu.matmul %broadcast_in_dim3A_156, %mul3A_247, %dot_general3A_248 {dimension_numbers = #tpu.dot_dimension_numbers<[1], [1], [0], [0], [0, 0, 1, 0], [], []>, precision = #tpu.contract_precision<fp32>, transpose_lhs_hint = false} : vector<1x128xf32>, vector<512x128xf32>, vector<1x512xf32> -> vector<1x512xf32>
    %mul3A_250 = arith.mulf %get3A_240, %get3A_240 : vector<512x128xf32>
    %dot_general3A_251 = arith.constant dense<0.000000e+00> : vector<1x512xf32>
    %dot_general3A_252 = tpu.matmul %broadcast_in_dim3A_156, %mul3A_250, %dot_general3A_251 {dimension_numbers = #tpu.dot_dimension_numbers<[1], [1], [0], [0], [0, 0, 1, 0], [], []>, precision = #tpu.contract_precision<fp32>, transpose_lhs_hint = false} : vector<1x128xf32>, vector<512x128xf32>, vector<1x512xf32> -> vector<1x512xf32>
    %mul3A_253 = arith.mulf %get3A_246, %get3A_246 : vector<512x128xf32>
    %dot_general3A_254 = arith.constant dense<0.000000e+00> : vector<1x512xf32>
    %dot_general3A_255 = tpu.matmul %broadcast_in_dim3A_156, %mul3A_253, %dot_general3A_254 {dimension_numbers = #tpu.dot_dimension_numbers<[1], [1], [0], [0], [0, 0, 1, 0], [], []>, precision = #tpu.contract_precision<fp32>, transpose_lhs_hint = false} : vector<1x128xf32>, vector<512x128xf32>, vector<1x512xf32> -> vector<1x512xf32>
    %sqrt3A_256 = math.sqrt %dot_general3A_252 : vector<1x512xf32>
    %max3A_257 = arith.constant 9.99999993E-9 : f32
    %max3A_258 = vector.broadcast %max3A_257 : f32 to vector<1x512xf32>
    %max3A_259 = arith.maximumf %sqrt3A_256, %max3A_258 : vector<1x512xf32>
    %sqrt3A_260 = math.sqrt %dot_general3A_255 : vector<1x512xf32>
    %max3A_261 = arith.constant 9.99999993E-9 : f32
    %max3A_262 = vector.broadcast %max3A_261 : f32 to vector<1x512xf32>
    %max3A_263 = arith.maximumf %sqrt3A_260, %max3A_262 : vector<1x512xf32>
    %mul3A_264 = arith.mulf %max3A_259, %max3A_263 : vector<1x512xf32>
    %div3A_265 = arith.divf %dot_general3A_249, %mul3A_264 : vector<1x512xf32>
    %ge3A_266 = arith.constant 2.000000e+00 : f32
    %ge3A_267 = vector.broadcast %ge3A_266 : f32 to vector<1x512xf32>
    %ge3A_268 = arith.cmpf oge, %slice3A_232, %ge3A_267 : vector<1x512xf32>
    %mul3A_269 = arith.mulf %slice3A_233, %slice3A_234 : vector<1x512xf32>
    %mul3A_270 = arith.mulf %mul3A_269, %div3A_265 : vector<1x512xf32>
    %jit3A_271 = arith.constant 1.000000e-01 : f32
    %broadcast_in_dim3A_272 = vector.broadcast %jit3A_271 : f32 to vector<1x512xf32>
    %select_n3A_273 = arith.select %ge3A_268, %mul3A_270, %broadcast_in_dim3A_272 : vector<1x512xi1>, vector<1x512xf32>
    %mul3A_274 = vector.broadcast %convert_element_type3A_226 : f32 to vector<1x512xf32>
    %mul3A_275 = arith.mulf %select_n3A_273, %mul3A_274 : vector<1x512xf32>
    %swap3A_276 = arith.constant 1 : index
    %swap3A_277 = arith.constant 0 : index
    %swap3A_278 = vector.load %arg7[%swap3A_276, %swap3A_277] : memref<4x512xf32, #tpu.memory_space<vmem>>, vector<1x512xf32>
    tpu.vector_store %arg7[%swap3A_276, %swap3A_277], %mul3A_275 {strides = array<i32>} : memref<4x512xf32, #tpu.memory_space<vmem>>, vector<1x512xf32>,
    %eq3A_279 = arith.constant 2 : i32
    %eq3A_280 = arith.cmpi eq, %select_n3A_154, %eq3A_279 : i32
    %convert_element_type3A_281 = arith.extui %eq3A_280 : i1 to i32
    %convert_element_type3A_282 = arith.sitofp %convert_element_type3A_281 : i32 to f32
    %max3A_283 = arith.maximumf %min3A_135, %convert_element_type3A_282 : f32
    %swap3A_284 = arith.constant 2 : index
    %swap3A_285 = arith.constant 0 : index
    %swap3A_286 = memref.load %arg6[%swap3A_284, %swap3A_285] : memref<4x1xf32, #tpu.memory_space<smem>>
    memref.store %max3A_283, %arg6[%swap3A_284, %swap3A_285] : memref<4x1xf32, #tpu.memory_space<smem>>
    %gt3A_287 = arith.constant 5.000000e-01 : f32
    %gt3A_288 = arith.cmpf ogt, %max3A_283, %gt3A_287 : f32
    %convert_element_type3A_289 = arith.extui %gt3A_288 : i1 to i32
    %convert_element_type3A_290 = arith.sitofp %convert_element_type3A_289 : i32 to f32
    %get3A_291 = arith.constant 2 : index
    %get3A_292 = arith.constant 0 : index
    %get3A_293 = arith.constant 0 : index
    %get3A_294 = vector.load %arg0[%get3A_291, %get3A_292, %get3A_293] : memref<4x8x512xf32, #tpu.memory_space<vmem>>, vector<1x8x512xf32>
    %get3A_295 = vector.shape_cast %get3A_294 : vector<1x8x512xf32> to vector<8x512xf32>
    %slice3A_296 = vector.extract_strided_slice %get3A_295 {offsets = [0, 0], sizes = [1, 512], strides = [1, 1]} : vector<8x512xf32> to vector<1x512xf32>
    %slice3A_297 = vector.extract_strided_slice %get3A_295 {offsets = [1, 0], sizes = [1, 512], strides = [1, 1]} : vector<8x512xf32> to vector<1x512xf32>
    %slice3A_298 = vector.extract_strided_slice %get3A_295 {offsets = [2, 0], sizes = [1, 512], strides = [1, 1]} : vector<8x512xf32> to vector<1x512xf32>
    %get3A_299 = arith.constant 2 : index
    %get3A_300 = arith.constant 0 : index
    %get3A_301 = arith.constant 0 : index
    %get3A_302 = arith.constant 0 : index
    %get3A_303 = vector.load %arg1[%get3A_299, %get3A_300, %get3A_301, %get3A_302] : memref<4x2x512x128xf32, #tpu.memory_space<vmem>>, vector<1x1x512x128xf32>
    %get3A_304 = vector.shape_cast %get3A_303 : vector<1x1x512x128xf32> to vector<512x128xf32>
    %get3A_305 = arith.constant 2 : index
    %get3A_306 = arith.constant 1 : index
    %get3A_307 = arith.constant 0 : index
    %get3A_308 = arith.constant 0 : index
    %get3A_309 = vector.load %arg1[%get3A_305, %get3A_306, %get3A_307, %get3A_308] : memref<4x2x512x128xf32, #tpu.memory_space<vmem>>, vector<1x1x512x128xf32>
    %get3A_310 = vector.shape_cast %get3A_309 : vector<1x1x512x128xf32> to vector<512x128xf32>
    %mul3A_311 = arith.mulf %get3A_304, %get3A_310 : vector<512x128xf32>
    %dot_general3A_312 = arith.constant dense<0.000000e+00> : vector<1x512xf32>
    %dot_general3A_313 = tpu.matmul %broadcast_in_dim3A_156, %mul3A_311, %dot_general3A_312 {dimension_numbers = #tpu.dot_dimension_numbers<[1], [1], [0], [0], [0, 0, 1, 0], [], []>, precision = #tpu.contract_precision<fp32>, transpose_lhs_hint = false} : vector<1x128xf32>, vector<512x128xf32>, vector<1x512xf32> -> vector<1x512xf32>
    %mul3A_314 = arith.mulf %get3A_304, %get3A_304 : vector<512x128xf32>
    %dot_general3A_315 = arith.constant dense<0.000000e+00> : vector<1x512xf32>
    %dot_general3A_316 = tpu.matmul %broadcast_in_dim3A_156, %mul3A_314, %dot_general3A_315 {dimension_numbers = #tpu.dot_dimension_numbers<[1], [1], [0], [0], [0, 0, 1, 0], [], []>, precision = #tpu.contract_precision<fp32>, transpose_lhs_hint = false} : vector<1x128xf32>, vector<512x128xf32>, vector<1x512xf32> -> vector<1x512xf32>
    %mul3A_317 = arith.mulf %get3A_310, %get3A_310 : vector<512x128xf32>
    %dot_general3A_318 = arith.constant dense<0.000000e+00> : vector<1x512xf32>
    %dot_general3A_319 = tpu.matmul %broadcast_in_dim3A_156, %mul3A_317, %dot_general3A_318 {dimension_numbers = #tpu.dot_dimension_numbers<[1], [1], [0], [0], [0, 0, 1, 0], [], []>, precision = #tpu.contract_precision<fp32>, transpose_lhs_hint = false} : vector<1x128xf32>, vector<512x128xf32>, vector<1x512xf32> -> vector<1x512xf32>
    %sqrt3A_320 = math.sqrt %dot_general3A_316 : vector<1x512xf32>
    %max3A_321 = arith.constant 9.99999993E-9 : f32
    %max3A_322 = vector.broadcast %max3A_321 : f32 to vector<1x512xf32>
    %max3A_323 = arith.maximumf %sqrt3A_320, %max3A_322 : vector<1x512xf32>
    %sqrt3A_324 = math.sqrt %dot_general3A_319 : vector<1x512xf32>
    %max3A_325 = arith.constant 9.99999993E-9 : f32
    %max3A_326 = vector.broadcast %max3A_325 : f32 to vector<1x512xf32>
    %max3A_327 = arith.maximumf %sqrt3A_324, %max3A_326 : vector<1x512xf32>
    %mul3A_328 = arith.mulf %max3A_323, %max3A_327 : vector<1x512xf32>
    %div3A_329 = arith.divf %dot_general3A_313, %mul3A_328 : vector<1x512xf32>
    %ge3A_330 = arith.constant 2.000000e+00 : f32
    %ge3A_331 = vector.broadcast %ge3A_330 : f32 to vector<1x512xf32>
    %ge3A_332 = arith.cmpf oge, %slice3A_296, %ge3A_331 : vector<1x512xf32>
    %mul3A_333 = arith.mulf %slice3A_297, %slice3A_298 : vector<1x512xf32>
    %mul3A_334 = arith.mulf %mul3A_333, %div3A_329 : vector<1x512xf32>
    %jit3A_335 = arith.constant 1.000000e-01 : f32
    %broadcast_in_dim3A_336 = vector.broadcast %jit3A_335 : f32 to vector<1x512xf32>
    %select_n3A_337 = arith.select %ge3A_332, %mul3A_334, %broadcast_in_dim3A_336 : vector<1x512xi1>, vector<1x512xf32>
    %mul3A_338 = vector.broadcast %convert_element_type3A_290 : f32 to vector<1x512xf32>
    %mul3A_339 = arith.mulf %select_n3A_337, %mul3A_338 : vector<1x512xf32>
    %swap3A_340 = arith.constant 2 : index
    %swap3A_341 = arith.constant 0 : index
    %swap3A_342 = vector.load %arg7[%swap3A_340, %swap3A_341] : memref<4x512xf32, #tpu.memory_space<vmem>>, vector<1x512xf32>
    tpu.vector_store %arg7[%swap3A_340, %swap3A_341], %mul3A_339 {strides = array<i32>} : memref<4x512xf32, #tpu.memory_space<vmem>>, vector<1x512xf32>,
    %eq3A_343 = arith.constant 3 : i32
    %eq3A_344 = arith.cmpi eq, %select_n3A_154, %eq3A_343 : i32
    %convert_element_type3A_345 = arith.extui %eq3A_344 : i1 to i32
    %convert_element_type3A_346 = arith.sitofp %convert_element_type3A_345 : i32 to f32
    %max3A_347 = arith.maximumf %min3A_144, %convert_element_type3A_346 : f32
    %swap3A_348 = arith.constant 3 : index
    %swap3A_349 = arith.constant 0 : index
    %swap3A_350 = memref.load %arg6[%swap3A_348, %swap3A_349] : memref<4x1xf32, #tpu.memory_space<smem>>
    memref.store %max3A_347, %arg6[%swap3A_348, %swap3A_349] : memref<4x1xf32, #tpu.memory_space<smem>>
    %gt3A_351 = arith.constant 5.000000e-01 : f32
    %gt3A_352 = arith.cmpf ogt, %max3A_347, %gt3A_351 : f32
    %convert_element_type3A_353 = arith.extui %gt3A_352 : i1 to i32
    %convert_element_type3A_354 = arith.sitofp %convert_element_type3A_353 : i32 to f32
    %get3A_355 = arith.constant 3 : index
    %get3A_356 = arith.constant 0 : index
    %get3A_357 = arith.constant 0 : index
    %get3A_358 = vector.load %arg0[%get3A_355, %get3A_356, %get3A_357] : memref<4x8x512xf32, #tpu.memory_space<vmem>>, vector<1x8x512xf32>
    %get3A_359 = vector.shape_cast %get3A_358 : vector<1x8x512xf32> to vector<8x512xf32>
    %slice3A_360 = vector.extract_strided_slice %get3A_359 {offsets = [0, 0], sizes = [1, 512], strides = [1, 1]} : vector<8x512xf32> to vector<1x512xf32>
    %slice3A_361 = vector.extract_strided_slice %get3A_359 {offsets = [1, 0], sizes = [1, 512], strides = [1, 1]} : vector<8x512xf32> to vector<1x512xf32>
    %slice3A_362 = vector.extract_strided_slice %get3A_359 {offsets = [2, 0], sizes = [1, 512], strides = [1, 1]} : vector<8x512xf32> to vector<1x512xf32>
    %get3A_363 = arith.constant 3 : index
    %get3A_364 = arith.constant 0 : index
    %get3A_365 = arith.constant 0 : index
    %get3A_366 = arith.constant 0 : index
    %get3A_367 = vector.load %arg1[%get3A_363, %get3A_364, %get3A_365, %get3A_366] : memref<4x2x512x128xf32, #tpu.memory_space<vmem>>, vector<1x1x512x128xf32>
    %get3A_368 = vector.shape_cast %get3A_367 : vector<1x1x512x128xf32> to vector<512x128xf32>
    %get3A_369 = arith.constant 3 : index
    %get3A_370 = arith.constant 1 : index
    %get3A_371 = arith.constant 0 : index
    %get3A_372 = arith.constant 0 : index
    %get3A_373 = vector.load %arg1[%get3A_369, %get3A_370, %get3A_371, %get3A_372] : memref<4x2x512x128xf32, #tpu.memory_space<vmem>>, vector<1x1x512x128xf32>
    %get3A_374 = vector.shape_cast %get3A_373 : vector<1x1x512x128xf32> to vector<512x128xf32>
    %mul3A_375 = arith.mulf %get3A_368, %get3A_374 : vector<512x128xf32>
    %dot_general3A_376 = arith.constant dense<0.000000e+00> : vector<1x512xf32>
    %dot_general3A_377 = tpu.matmul %broadcast_in_dim3A_156, %mul3A_375, %dot_general3A_376 {dimension_numbers = #tpu.dot_dimension_numbers<[1], [1], [0], [0], [0, 0, 1, 0], [], []>, precision = #tpu.contract_precision<fp32>, transpose_lhs_hint = false} : vector<1x128xf32>, vector<512x128xf32>, vector<1x512xf32> -> vector<1x512xf32>
    %mul3A_378 = arith.mulf %get3A_368, %get3A_368 : vector<512x128xf32>
    %dot_general3A_379 = arith.constant dense<0.000000e+00> : vector<1x512xf32>
    %dot_general3A_380 = tpu.matmul %broadcast_in_dim3A_156, %mul3A_378, %dot_general3A_379 {dimension_numbers = #tpu.dot_dimension_numbers<[1], [1], [0], [0], [0, 0, 1, 0], [], []>, precision = #tpu.contract_precision<fp32>, transpose_lhs_hint = false} : vector<1x128xf32>, vector<512x128xf32>, vector<1x512xf32> -> vector<1x512xf32>
    %mul3A_381 = arith.mulf %get3A_374, %get3A_374 : vector<512x128xf32>
    %dot_general3A_382 = arith.constant dense<0.000000e+00> : vector<1x512xf32>
    %dot_general3A_383 = tpu.matmul %broadcast_in_dim3A_156, %mul3A_381, %dot_general3A_382 {dimension_numbers = #tpu.dot_dimension_numbers<[1], [1], [0], [0], [0, 0, 1, 0], [], []>, precision = #tpu.contract_precision<fp32>, transpose_lhs_hint = false} : vector<1x128xf32>, vector<512x128xf32>, vector<1x512xf32> -> vector<1x512xf32>
    %sqrt3A_384 = math.sqrt %dot_general3A_380 : vector<1x512xf32>
    %max3A_385 = arith.constant 9.99999993E-9 : f32
    %max3A_386 = vector.broadcast %max3A_385 : f32 to vector<1x512xf32>
    %max3A_387 = arith.maximumf %sqrt3A_384, %max3A_386 : vector<1x512xf32>
    %sqrt3A_388 = math.sqrt %dot_general3A_383 : vector<1x512xf32>
    %max3A_389 = arith.constant 9.99999993E-9 : f32
    %max3A_390 = vector.broadcast %max3A_389 : f32 to vector<1x512xf32>
    %max3A_391 = arith.maximumf %sqrt3A_388, %max3A_390 : vector<1x512xf32>
    %mul3A_392 = arith.mulf %max3A_387, %max3A_391 : vector<1x512xf32>
    %div3A_393 = arith.divf %dot_general3A_377, %mul3A_392 : vector<1x512xf32>
    %ge3A_394 = arith.constant 2.000000e+00 : f32
    %ge3A_395 = vector.broadcast %ge3A_394 : f32 to vector<1x512xf32>
    %ge3A_396 = arith.cmpf oge, %slice3A_360, %ge3A_395 : vector<1x512xf32>
    %mul3A_397 = arith.mulf %slice3A_361, %slice3A_362 : vector<1x512xf32>
    %mul3A_398 = arith.mulf %mul3A_397, %div3A_393 : vector<1x512xf32>
    %jit3A_399 = arith.constant 1.000000e-01 : f32
    %broadcast_in_dim3A_400 = vector.broadcast %jit3A_399 : f32 to vector<1x512xf32>
    %select_n3A_401 = arith.select %ge3A_396, %mul3A_398, %broadcast_in_dim3A_400 : vector<1x512xi1>, vector<1x512xf32>
    %mul3A_402 = vector.broadcast %convert_element_type3A_354 : f32 to vector<1x512xf32>
    %mul3A_403 = arith.mulf %select_n3A_401, %mul3A_402 : vector<1x512xf32>
    %swap3A_404 = arith.constant 3 : index
    %swap3A_405 = arith.constant 0 : index
    %swap3A_406 = vector.load %arg7[%swap3A_404, %swap3A_405] : memref<4x512xf32, #tpu.memory_space<vmem>>, vector<1x512xf32>
    tpu.vector_store %arg7[%swap3A_404, %swap3A_405], %mul3A_403 {strides = array<i32>} : memref<4x512xf32, #tpu.memory_space<vmem>>, vector<1x512xf32>,
    return
  }
}

</mosaic_0001>

<sc_bundles>
// kernel: kernel.6.cloned.1.call-start
scs
__scs_entry_jumppad:
0x0: {  	(pc) =	sbr.rel $0x88, $3  }
0x1: {  	(tag) =	ssettag $0x0;
	lr =	simm.s32 $0x1  }
0x2: {  	[smem:$0x3F95] =	sst lr;
	_ =	strace $0xD0000000  }
0x3: {  	_ = 	snop  }
0x4: {  	_ = 	snop  }
0x5: {  	_ = 	snop  }
0x6: {  	_ = 	snop  }
0x7: {  	_ = 	snop  }
__scs_overlays_trampoline_lowered:
0x8: {  	[smem:$0x3FA4] =	sst s0  }
0x9: {  	[smem:$0x3FA5] =	sst s1  }
0xa: {  	[smem:$0x3FA6] =	sst s2  }
0xb: {  	[smem:$0x3FA7] =	sst s3  }
0xc: {  	[smem:$0x3FA8] =	sst s4  }
0xd: {  	[smem:$0x3FA9] =	sst s5  }
0xe: {  	[smem:$0x3FAA] =	sst s6  }
0xf: {  	[smem:$0x3FAB] =	sst s7  }
0x10: {  	[smem:$0x3FAC] =	sst s8  }
0x11: {  	[smem:$0x3FAD] =	sst s9;
	s0 =	simm.s32 @!p0 $0x0  }
0x12: {  	s1 =	sld [smem:$0x3F93];
	s0 =	simm.s32 @p0 $0x1  }
0x13: {  	[smem:$0x3FAE] =	sst s0;
	s0 =	simm.s32 @!p1 $0x0  }
0x14: {  	s2 =	sld [smem:$0x3F92];
	s0 =	simm.s32 @p1 $0x1  }
0x15: {  	[smem:$0x3FAF] =	sst s0;
	s0 =	simm.s32 @!p2 $0x0  }
0x16: {  	s3 =	sld [smem:$0x3FDB];
	s0 =	simm.s32 @p2 $0x1  }
0x17: {  	s4 =	simm.s32 $0x1BF5;
	[smem:$0x3FB1] =	sst s0  }
0x18: {  	s0 =	sld [smem:$0x3F94];
	_ =	swait.ge [sflag:s4], $0x0  }
0x19: {  	s7 =	sld [smem:$0x3F95]  }
0x1a: {  	s8 =	sadd.s32 $0xFFFFE003, lr  }
0x1b: {  	s9 =	sadd.s32 $0xFFFFFEF7, lr;
	s5 =	simm.s32 $0xFFFFFFFF;
	p2 =	slt.u32 s8, $0xFFFFF086  }
0x1c: {  	p1 =	slt.u32 s9, $0xF7A;
	s5 =	simm.s32 @!p2 $0x0  }
0x1d: {  	s5 =	simm.s32 @p1 $0x1;
	p0 =	seq.s32 s7, s2  }
0x1e: {  	s7 =	smul.u32 @!p0 $0xF7A, s2;
	p2 =	seq.s32 @!p0 s5, $0x0  }
0x1f: {  	s9 =	smul.u32 $0xF7A, s1;
	s8 =	simm.s32 @!p0 $0x1BF5;
	p2 =	por !p2, p0  }
0x20: {  	[sflag:s8] =	ssyncset.s32 @!p0 $0xFFFFF086;
	s6 =	sadd.s32 @!p0 s3, s7;
	s7 =	simm.s32 @!p0 $0x108  }
0x21: {  	s3 =	sadd.s32 s3, s9;
	s6 =	sadd.s32 @!p0 $0x88, s6;
	s7 =	simm.s32 @p2 $0x1082  }
0x22: {  	[simem:s7], [sflag:s8] =	dma.local @!p0 [hbm:s6], $0xF7A  }
0x23: {  	s9 =	sor.u32 $0xD0000000, s2;
	s6 =	simm.s32 $0x108;
	_ =	swait.ge @!p0 [sflag:s8], $0x0  }
0x24: {  	s3 =	sadd.s32 $0x88, s3;
	s6 =	simm.s32 @!p1 $0x1082;
	[sflag:s4] =	ssyncset.s32 $0xFFFFF086  }
0x25: {  	[simem:s6], [sflag:s4] =	dma.local [hbm:s3], $0xF7A  }
0x26: {  	[smem:$0x3F95] =	sst s1;
	(tag) =	ssettag s2;
	_ =	strace s9  }
0x27: {  	s1 =	sld [smem:$0x3FA5]  }
0x28: {  	s2 =	sld [smem:$0x3FA6]  }
0x29: {  	s4 =	sld [smem:$0x3FA8]  }
0x2a: {  	p0 =	seq.s32 s5, $0x0;
	s5 =	sld [smem:$0x3FA9]  }
0x2b: {  	s6 =	sld [smem:$0x3FAA]  }
0x2c: {  	s7 =	sld [smem:$0x3FAB]  }
0x2d: {  	s3 =	simm.s32 $0x108;
	s8 =	sld [smem:$0x3FAC]  }
0x2e: {  	s3 =	simm.s32 @!p0 $0x1082;
	s9 =	sld [smem:$0x3FAD]  }
0x2f: {  	lr =	sadd.s32 s0, s3;
	s0 =	sld [smem:$0x3FA4]  }
0x30: {  	s3 =	sld [smem:$0x3FA7]  }
0x31: {  	[smem:$0x3FB0] =	sst s10  }
0x32: {  	s10 =	sld [smem:$0x3FAE];
	_ =	sdelay $0x3  }
0x33: {  	p0 =	seq.s32 s10, $0x1;
	s10 =	sld [smem:$0x3FB0];
	_ =	sdelay $0x3  }
0x34: {  	[smem:$0x3FB0] =	sst s10  }
0x35: {  	s10 =	sld [smem:$0x3FAF];
	_ =	sdelay $0x3  }
0x36: {  	p1 =	seq.s32 s10, $0x1;
	s10 =	sld [smem:$0x3FB0];
	_ =	sdelay $0x3  }
0x37: {  	[smem:$0x3FB0] =	sst s10  }
0x38: {  	s10 =	sld [smem:$0x3FB1]  }
0x39: {  	_ = 	snop;
	(pc) =	sbr.ind lr, $3  }
0x3a: {  	_ = 	snop  }
0x3b: {  	_ = 	snop  }
0x3c: {  	p2 =	seq.s32 s10, $0x1;
	s10 =	sld [smem:$0x3FB0]  }
0x3d: {  	_ =	shalt  }
0x3e: {  	_ =	shalt  }
0x3f: {  	_ =	shalt  }
0x40: {  	_ =	shalt  }
0x41: {  	_ =	shalt  }
0x42: {  	_ =	shalt  }
0x43: {  	_ =	shalt  }
0x44: {  	_ =	shalt  }
0x45: {  	_ =	shalt  }
0x46: {  	_ =	shalt  }
0x47: {  	_ =	shalt  }
0x48: {  	_ =	shalt  }
0x49: {  	_ =	shalt  }
0x4a: {  	_ =	shalt  }
0x4b: {  	_ =	shalt  }
0x4c: {  	_ =	shalt  }
0x4d: {  	_ =	shalt  }
0x4e: {  	_ =	shalt  }
0x4f: {  	_ =	shalt  }
0x50: {  	_ =	shalt  }
0x51: {  	_ =	shalt  }
0x52: {  	_ =	shalt  }
0x53: {  	_ =	shalt  }
0x54: {  	_ =	shalt  }
0x55: {  	_ =	shalt  }
0x56: {  	_ =	shalt  }
0x57: {  	_ =	shalt  }
0x58: {  	_ =	shalt  }
0x59: {  	_ =	shalt  }
0x5a: {  	_ =	shalt  }
0x5b: {  	_ =	shalt  }
0x5c: {  	_ =	shalt  }
0x5d: {  	_ =	shalt  }
0x5e: {  	_ =	shalt  }
0x5f: {  	_ =	shalt  }
0x60: {  	_ =	shalt  }
0x61: {  	_ =	shalt  }
0x62: {  	_ =	shalt  }
0x63: {  	_ =	shalt  }
0x64: {  	_ =	shalt  }
0x65: {  	_ =	shalt  }
0x66: {  	_ =	shalt  }
0x67: {  	_ =	shalt  }
0x68: {  	_ =	shalt  }
0x69: {  	_ =	shalt  }
0x6a: {  	_ =	shalt  }
0x6b: {  	_ =	shalt  }
0x6c: {  	_ =	shalt  }
0x6d: {  	_ =	shalt  }
0x6e: {  	_ =	shalt  }
0x6f: {  	_ =	shalt  }
0x70: {  	_ =	shalt  }
0x71: {  	_ =	shalt  }
0x72: {  	_ =	shalt  }
0x73: {  	_ =	shalt  }
0x74: {  	_ =	shalt  }
0x75: {  	_ =	shalt  }
0x76: {  	_ =	shalt  }
0x77: {  	_ =	shalt  }
0x78: {  	_ =	shalt  }
0x79: {  	_ =	shalt  }
0x7a: {  	_ =	shalt  }
0x7b: {  	_ =	shalt  }
0x7c: {  	_ =	shalt  }
0x7d: {  	_ =	shalt  }
0x7e: {  	_ =	shalt  }
0x7f: {  	_ =	shalt  }
0x80: {  	_ =	shalt  }
0x81: {  	_ =	shalt  }
0x82: {  	_ =	shalt  }
0x83: {  	_ =	shalt  }
0x84: {  	_ =	shalt  }
0x85: {  	_ =	shalt  }
0x86: {  	_ =	shalt  }
0x87: {  	_ =	shalt  }
.Lfunc_end0:
.L_simem_size_0:
called_computation_lowered:
.L_overlay_start_0:
0x88: {  	s2 =	sld [smem:$0x3FD9]  }
0x89: {  	s3 =	sld [smem:$0x3FFE];
	_ =	sdelay $0x1  }
0x8a: {  	s1 =	srdreg.scid  }
0x8b: {  	s0 =	sand.u32 $0x1, s1  }
0x8c: {  	s17 =	sshll.u32 s0, $0xA;
	s2 =	sadd.s32 s3, s2  }
0x8d: {  	s2 =	sadd.s32 s2, s17  }
0x8e: {  	[smem:$0x3FBC] =	sst s2  }
0x8f: {  	_ = 	snop  }
0x90: {  	s2 =	sld [smem:$0x3FC8];
	(tm) =	ssettm $0x1  }
0x91: {  	s18 =	sld [smem:$0x3FFB];
	_ =	sdelay $0x3  }
0x92: {  	_ =	strace s18  }
0x93: {  	s3 =	sld [smem:$0x3FFC];
	_ =	sdelay $0x3  }
0x94: {  	_ =	strace s3  }
0x95: {  	s3 =	sld [smem:$0x3FFD];
	_ =	sdelay $0x3  }
0x96: {  	_ =	strace s3  }
0x97: {  	_ =	strace $0x8FFFFFFF  }
0x98: {  	s19 =	sld [smem:$0x3FDB];
	_ =	sdelay $0x1  }
0x99: {  	s4 =	simm.s32 $_scs_section_size  }
0x9a: {  	s5 =	simm.s32 $_size__tile_overlayer_lowered;
	s6 =	simm.s32 $_tile_overlayer_lowered  }
0x9b: {  	s22 =	simm.s32 $0x1BFF;
	s21 =	sshll.u32 s6, $0x1;
	s3 =	sadd.s32 s4, s19  }
0x9c: {  	s7 =	simm.s32 $0x0;
	s20 =	sshll.u32 s5, $0x1;
	s5 =	sadd.s32 s21, s3  }
0x9d: {  	[timem:s7], [sflag:s22] =	dma.local [hbm:s5], s20  }
0x9e: {  	_ =	swait.ge [sflag:s22], s20  }
0x9f: {  	s4 =	ssub.s32 $0x0, s20;
	[sflag:s22] =	ssyncset.done $0x0  }
0xa0: {  	[sflag:s22] =	ssyncadd.s32 s4;
	_ =	sdelay $0x1  }
0xa1: {  	s23 =	simm.s32 $0x1B8B  }
0xa2: {  	_ =	swait.ge [sflag:s23], $0x1  }
0xa3: {  	[sflag:s23] =	ssyncset.done $0x0  }
0xa4: {  	s25 =	simm.s32 $0x1B8E;
	s24 =	sld [smem:$0x3FFE];
	[sflag:s23] =	ssyncadd.s32 $0xFFFFFFFF  }
0xa5: {  	s26 =	simm.s32 $execute0_lowered;
	[smem:$0x3FD2] =	sst s25  }
0xa6: {  	s5 =	sshll.u32 s26, $0x1;
	_ =	strace $0x80000046;
	[dreg:$0x1] =	wrdreg $0xFFFFFFFF  }
0xa7: {  	s28 =	simm.s32 $_size_execute0_lowered;
	s3 =	sadd.s32 s3, s5;
	[dreg:$0x0] =	wrdreg $0x0  }
0xa8: {  	s5 =	sshll.u32 s28, $0x1;
	[dreg:$0x2] =	wrdreg s3  }
0xa9: {  	[dreg:$0x3] =	wrdreg s5  }
0xaa: {  	[dreg:$0x4] =	wrdreg $0xC0  }
0xab: {  	_ =	task [dreg:s7], $0x5FFFF  }
0xac: {  	[dreg:$0x1] =	wrdreg $0xFFFFFFFF  }
0xad: {  	[dreg:$0x0] =	wrdreg $0x60  }
0xae: {  	[dreg:$0x2] =	wrdreg s2  }
0xaf: {  	[dreg:$0x3] =	wrdreg s24  }
0xb0: {  	[dreg:$0x4] =	wrdreg $0x9  }
0xb1: {  	_ =	task.clear_ibuf [dreg:s7], $0x5FFFF;
	_ =	strace $0x90000046  }
0xb2: {  	s29 =	simm.s32 $0x9;
	_ =	strace $0x80000048  }
0xb3: {  	_ =	swait.ge [sflag:s29], $0x1  }
0xb4: {  	[sflag:s29] =	ssyncadd.s32 $0xFFFFFFFF  }
0xb5: {  	_ =	strace $0x90000048  }
0xb6: {  	_ =	sfence  }
0xb7: {  	s30 =	sld [smem:$0x0];
	_ =	sdelay $0x2  }
0xb8: {  	s31 =	sshll.u32 s1, $0xD;
	s1 =	sshrl.u32 s1, $0x2  }
0xb9: {  	s3 =	sand.u32 $0x4000, s31;
	s1 =	sadd.s32 s1, s30  }
0xba: {  	s0 =	sor.u32 s3, s0;
	s1 =	sshll.u32 s1, $0x11  }
0xbb: {  	s0 =	sor.u32 s1, s0  }
0xbc: {  	s0 =	sadd.s32 $0x8F2B, s0  }
0xbd: {  	[sflag:s0] =	ssyncadd.remote.s32 $0x1  }
0xbe: {  	_ =	sfence.sel $0xFFFF  }
0xbf: {  	[dreg:$0x0] =	wrdreg $0xFFFFFFFF;
	(pc) =	sbr.abs _section_cstart, $3  }
0xc0: {  	[dreg:$0x1] =	wrdreg $0xFFFFFFFF  }
0xc1: {  	_ =	task.clear_ibuf [dreg:s7], $0x2FFFF;
	_ =	strace $0x9FFFFFFF  }
0xc2: {  	(tm) =	ssettm $0x7FFFFFFF  }
0xc3: {  	_ =	shalt  }
tec
execute0_lowered:
.L_overlay_start_1:
0x0: {  	(tag) =	ssettag $0x1  }
0x1: {  	s2 =	rddreg [dreg:$0x0]  }
0x2: {  	s0 =	stileid.u32;
	s6 =	rddreg [dreg:$0x1]  }
0x3: {  	s1 =	rddreg [dreg:$0x2];
	s3 =	simm.s32 $0x0;
	s7 =	srdreg.scid  }
0x4: {  	s4 =	sshrl.u32 s0, $0x2;
	s8 =	sshrl.u32 s0, $0x1;
	s7 =	sand.u32 $0x1, s7  }
0x5: {  	s9 =	sshll.u32 s0, $0x8;
	[smem:$0x7FF] =	sst s3;
	s5 =	sshll.u32 s4, $0x9  }
0x6: {  	s8 =	sand.u32 $0x1, s8;
	s10 =	sshll.u32 s7, $0x7;
	s9 =	sand.u32 $0x100, s9  }
0x7: {  	_ =	strace $0x80000047;
	s5 =	sadd.s32 s5, s6;
	s11 =	sshll.u32 s8, $0x4  }
0x8: {  	s28 =	sshll.u32 s4, $0xE;
	s9 =	sor.u32 s10, s9;
	s5 =	sadd.s32 s11, s5  }
0x9: {  	s4 =	simm.s32 $0x2;
	s29 =	ssub.s32 $0x2, s7;
	s5 =	sadd.s32 s9, s5  }
0xa: {  	s7 =	simm.s32 $0x1;
	s6 =	sadd.s32 s28, s6;
	s5 =	sadd.s32 $0x2200, s5  }
0xb: {  	[tilespmem:s3], [sflag:$0x2] =	stream.linear.gather [hbm4b:s5+s3], $0x80, $0x38;
	[tilespmem:$0x4080] =	vst v63  }
0xc: {  	s8 =	sshll.u32 s8, $0xD;
	s30 =	sshrl.u32 s29, $0x1;
	_ =	swait.ge [sflag:s4], $0x80  }
0xd: {  	s8 =	sadd.s32 s8, s6;
	s10 =	ssub.s32 s29, s30;
	[sflag:s4] =	ssyncset.done $0x0  }
0xe: {  	s6 =	simm.s32 $0x80;
	s31 =	smax.u32 s10, $0x1;
	[sflag:s4] =	ssyncadd.s32 $0xFFFFFF80  }
0xf: {  	[tilespmem:s6], [sflag:$0x1] =	stream.indirect.gather [hbm4b:s2+s6], $0x80, s3, s6, $0xb8;
	[tilespmem:$0x4080] =	vst v63  }
0x10: {  	s9 =	sshll.u32 s9, $0x4;
	p0 =	sne.s32 s31, $0x1;
	_ =	swait.ge [sflag:s7], $0x4000  }
.Ltmp0:
0x11: {  	s8 =	sadd.s32 s9, s8;
	[sflag:s7] =	ssyncset.done $0x0;
	(pc) =	sbr.rel @!p0 .LBB2_2-.Ltmp0, $4  }
0x12: {  	s8 =	sadd.s32 $0x2A00, s8;
	[sflag:s7] =	ssyncadd.s32 $0xFFFFC000  }
0x13: {  	[hbm4b:s8+s3] =	stream.linear.scatter [tilespmem:s6], [sflag:$0x2], $0x4000, $0x38;
	[tilespmem:$0x4080] =	vst v63  }
0x14: {  	_ =	swait.ge [sflag:s4], $0x4000  }
0x15: {  	s9 =	sadd.s32 $0xFFFFFFFF, s31;
	[sflag:s4] =	ssyncset.done $0x0  }
.LBB2_1:
0x16: {  	p0 =	sne.s32 s9, $0x1;
	s9 =	sadd.s32 $0xFFFFFFFF, s9;
	[sflag:s4] =	ssyncadd.s32 $0xFFFFC000  }
0x17: {  	[tilespmem:s3], [sflag:$0x2] =	stream.linear.gather [hbm4b:s5+s3], $0x80, $0x38;
	[tilespmem:$0x4080] =	vst v63  }
0x18: {  	_ =	swait.ge [sflag:s4], $0x80  }
0x19: {  	[sflag:s4] =	ssyncset.done $0x0  }
0x1a: {  	[sflag:s4] =	ssyncadd.s32 $0xFFFFFF80  }
0x1b: {  	[tilespmem:s6], [sflag:$0x1] =	stream.indirect.gather [hbm4b:s2+s6], $0x80, s3, s6, $0xb8;
	[tilespmem:$0x4080] =	vst v63  }
0x1c: {  	_ =	swait.ge [sflag:s7], $0x4000  }
.Ltmp1:
0x1d: {  	[sflag:s7] =	ssyncset.done $0x0;
	(pc) =	sbr.rel @p0 .LBB2_1-.Ltmp1, $4  }
0x1e: {  	[sflag:s7] =	ssyncadd.s32 $0xFFFFC000  }
0x1f: {  	[hbm4b:s8+s3] =	stream.linear.scatter [tilespmem:s6], [sflag:$0x2], $0x4000, $0x38;
	[tilespmem:$0x4080] =	vst v63  }
0x20: {  	_ =	swait.ge [sflag:s4], $0x4000  }
0x21: {  	[sflag:s4] =	ssyncset.done $0x0  }
.LBB2_2:
0x22: {  	[sflag:s4] =	ssyncadd.s32 $0xFFFFC000  }
0x23: {  	_ =	sfence.sel $0x180000  }
0x24: {  	[bflag:$0x0] =	sbarrier.arrive $0xFFFF  }
0x25: {  	p0 =	sne.s32 s0, $0x0;
	_ =	strace $0x90000047  }
0x26: {  	s0 =	sadd.s32 @!p0 $0x100000, s1;
	[bflag:$0x2] =	sbarrier.arrive $0xFFFF  }
0x27: {  	[sflag:s0] =	ssyncadd.tile.s32 @!p0 $0x1;
	_ =	shalt  }
.Lfunc_end2:
_tile_overlayer_lowered:
.L_overlay_start_2:
0x28: {  	(tag) =	ssettag $0x2  }
0x29: {  	s0 =	rddreg [dreg:$0x0];
	s2 =	stileid.u32  }
0x2a: {  	s1 =	rddreg [dreg:$0x1];
	p0 =	sne.s32 s2, $0x0  }
0x2b: {  	s3 =	rddreg [dreg:$0x2];
	[bflag:$0x3] =	sbarrier.arrive $0xFFFF;
	s2 =	simm.s32 @!p0 $0x1C02  }
0x2c: {  	[timem:s3], [sflag:s2] =	dma.local @!p0 [hbm:s0], s1  }
0x2d: {  	s0 =	simm.s32 @!p0 $0x2  }
0x2e: {  	_ =	swait.ge @!p0 [sflag:s0], s1  }
0x2f: {  	s1 =	ssub.s32 @!p0 $0x0, s1;
	[sflag:s0] =	ssyncset.done @!p0 $0x0  }
0x30: {  	[sflag:s0] =	ssyncadd.s32 @!p0 s1  }
0x31: {  	[bflag:$0x3] =	sbarrier.arrive $0xFFFF  }
0x32: {  	_ =	shalt  }

</sc_bundles>
